<compile_context>
chip_gen: v7x
topology: tpu7x:2x2x1
jax: 0.10.2.dev20260603
libtpu: 0.0.44.dev20260713+nightly
codegen_flags: <defaults>
</compile_context>

<pallas_src>
import jax
import jax.numpy as jnp
from jax import lax
from jax.experimental import pallas as pl
from jax.experimental.pallas import tpu as pltpu
from jax.experimental.pallas import tpu_sc as plsc

NUM_TEMPS = 1000
BATCH = 16384
LANES = 16

_NW = plsc.get_sparse_core_info().num_subcores
_B_PER_W = BATCH // _NW
_STEPS = _B_PER_W // LANES
_BLK = 8
_HALF = _B_PER_W // 2


def _body(temps_hbm, rs_hbm, out_hbm, rs_v, idx_v, out_v, sem_rs, sem_idx,
          sem_out):
    base = lax.axis_index("s") * _B_PER_W

    cp_rs = pltpu.async_copy(rs_hbm, rs_v, sem_rs)
    cp_idx = pltpu.async_copy(temps_hbm.at[pl.ds(base, _B_PER_W)], idx_v,
                              sem_idx)
    cp_rs.wait()
    cp_idx.wait()

    zero = jnp.zeros((LANES,), jnp.float32)
    cp_out1 = None
    for b in range(0, _STEPS, _BLK):
        idxs = [idx_v[pl.ds((b + j) * LANES, LANES)] for j in range(_BLK)]
        vals = [plsc.load_gather(rs_v, [idxs[j]]) for j in range(_BLK)]
        for j in range(_BLK):
            out_v[pl.ds((b + j) * LANES, LANES)] = jnp.maximum(vals[j], zero)
        if (b + _BLK) * LANES == _HALF:
            cp_out1 = pltpu.async_copy(out_v.at[pl.ds(0, _HALF)],
                                       out_hbm.at[pl.ds(base, _HALF)],
                                       sem_out)

    cp_out2 = pltpu.async_copy(out_v.at[pl.ds(_HALF, _HALF)],
                               out_hbm.at[pl.ds(base + _HALF, _HALF)],
                               sem_out)
    cp_out1.wait()
    cp_out2.wait()


@jax.jit
def kernel(temps, rs):
    mesh = plsc.VectorSubcoreMesh(core_axis_name="c", subcore_axis_name="s",
                                  num_cores=1)
    run = pl.kernel(
        _body,
        out_type=jax.ShapeDtypeStruct((BATCH,), jnp.float32),
        mesh=mesh,
        scratch_types=[
            pltpu.VMEM((NUM_TEMPS,), jnp.float32),
            pltpu.VMEM((_B_PER_W,), jnp.int32),
            pltpu.VMEM((_B_PER_W,), jnp.float32),
            pltpu.SemaphoreType.DMA,
            pltpu.SemaphoreType.DMA,
            pltpu.SemaphoreType.DMA,
        ],
        compiler_params=pltpu.CompilerParams(
            needs_layout_passes=False,
            skip_device_barrier=True,
            disable_bounds_checks=True,
            disable_semaphore_checks=True,
        ),
    )
    return run(temps, rs)

# --- scband reference (transcript-rebuilt; emitter-appended) ---
"""Pipeline reference for scband-rs-bias-86629490360567 (READ-ONLY COPY).

The authoritative reference and input builder live on the scoring server;
editing this copy changes nothing except your own understanding.
"""

import jax, jax.numpy as jnp
import numpy as np

NUM_TEMPS = 1000
BATCH = 16384
R_INIT = 0.5


def setup_inputs(seed: int = 0) -> dict:
    key = jax.random.key(seed)
    # temps values are integers 0..NUM_TEMPS-1; since the module was constructed
    # with temps=list(range(NUM_TEMPS)), temp_to_idx is the identity mapping.
    temps = jax.random.randint(key, (BATCH,), 0, NUM_TEMPS, dtype=jnp.int32)
    # learned parameter rs, initialized from scalar r repeated num_temps times
    rs = jnp.full((NUM_TEMPS,), R_INIT, dtype=jnp.float32)
    return {"temps": temps, "rs": rs}


def reference(temps, rs):
    # temp_to_idx[t] == t because temps passed to __init__ is range(NUM_TEMPS),
    # so the python-level dict lookup reduces to an identity index map.
    idxs = temps
    gathered = jnp.take(rs, idxs, axis=0)  # embedding-style gather
    return jnp.maximum(gathered, 0.0)      # torch.clamp(..., min=0.0)

if __name__ == "__main__":
    import jax
    _d = setup_inputs()
    print(jax.jit(kernel)(*tuple(_d.values())))

</pallas_src>

<mosaic_0001>
#map = affine_map<(d0, d1) -> (0)>
module attributes {stable_mosaic.version = 14 : i64} {
  func.func @_body(%arg0: i32, %arg1: i32, %arg2: memref<16384xi32, #tpu.memory_space<hbm>>, %arg3: memref<1000xf32, #tpu.memory_space<hbm>>, %arg4: memref<16384xf32, #tpu.memory_space<hbm>>, %arg5: memref<1000xf32, #tpu.memory_space<vmem>>, %arg6: memref<1024xi32, #tpu.memory_space<vmem>>, %arg7: memref<1024xf32, #tpu.memory_space<vmem>>, %arg8: memref<!tpu.dma_semaphore, #tpu.memory_space<semaphore_mem>>, %arg9: memref<!tpu.dma_semaphore, #tpu.memory_space<semaphore_mem>>, %arg10: memref<!tpu.dma_semaphore, #tpu.memory_space<semaphore_mem>>) attributes {dimension_semantics = [#tpu.dimension_semantics<core_parallel>, #tpu.dimension_semantics<subcore_parallel>], iteration_bounds = array<i64: 1, 16>, scalar_prefetch = 0 : i64, scratch_operands = 6 : i64, tpu.core_type = #tpu.core_type<sc_vector_subcore>, window_params = [{transform_indices = #map}, {transform_indices = #map}, {transform_indices = #map}]} {
    %mul3A = arith.constant 1024 : i32
    %mul3A_0 = arith.muli %arg1, %mul3A : i32
    tpu.enqueue_dma source(%arg3 : memref<1000xf32, #tpu.memory_space<hbm>>) target(%arg5 : memref<1000xf32, #tpu.memory_space<vmem>>) target_semaphore(%arg8 : memref<!tpu.dma_semaphore, #tpu.memory_space<semaphore_mem>>)
    %dma_start3A = tpu.memref_slice %arg2[%mul3A_0] : memref<16384xi32, #tpu.memory_space<hbm>> -> memref<1024xi32, #tpu.memory_space<hbm>>
    %dma_start3A_1 = tpu.memref_slice %arg2[%mul3A_0] : memref<16384xi32, #tpu.memory_space<hbm>> -> memref<1024xi32, #tpu.memory_space<hbm>>
    tpu.enqueue_dma source(%dma_start3A_1 : memref<1024xi32, #tpu.memory_space<hbm>>) target(%arg6 : memref<1024xi32, #tpu.memory_space<vmem>>) target_semaphore(%arg9 : memref<!tpu.dma_semaphore, #tpu.memory_space<semaphore_mem>>)
    tpu.wait_dma2 semaphore(%arg8 : memref<!tpu.dma_semaphore, #tpu.memory_space<semaphore_mem>>) src(%arg3 : memref<1000xf32, #tpu.memory_space<hbm>>) dst(%arg5 : memref<1000xf32, #tpu.memory_space<vmem>>)
    %dma_wait3A = tpu.memref_slice %arg2[%mul3A_0] : memref<16384xi32, #tpu.memory_space<hbm>> -> memref<1024xi32, #tpu.memory_space<hbm>>
    %dma_wait3A_2 = tpu.memref_slice %arg2[%mul3A_0] : memref<16384xi32, #tpu.memory_space<hbm>> -> memref<1024xi32, #tpu.memory_space<hbm>>
    tpu.wait_dma2 semaphore(%arg9 : memref<!tpu.dma_semaphore, #tpu.memory_space<semaphore_mem>>) src(%dma_wait3A_2 : memref<1024xi32, #tpu.memory_space<hbm>>) dst(%arg6 : memref<1024xi32, #tpu.memory_space<vmem>>)
    %broadcast_in_dim3A = arith.constant 0.000000e+00 : f32
    %broadcast_in_dim3A_3 = vector.broadcast %broadcast_in_dim3A : f32 to vector<16xf32>
    %get3A = arith.constant 0 : index
    %get3A_4 = tpu.vector_load %arg6[%get3A] {strides = array<i32>} : memref<1024xi32, #tpu.memory_space<vmem>>, vector<16xi32>,
    %get3A_5 = arith.constant 16 : index
    %get3A_6 = tpu.vector_load %arg6[%get3A_5] {strides = array<i32>} : memref<1024xi32, #tpu.memory_space<vmem>>, vector<16xi32>,
    %get3A_7 = arith.constant 32 : index
    %get3A_8 = tpu.vector_load %arg6[%get3A_7] {strides = array<i32>} : memref<1024xi32, #tpu.memory_space<vmem>>, vector<16xi32>,
    %get3A_9 = arith.constant 48 : index
    %get3A_10 = tpu.vector_load %arg6[%get3A_9] {strides = array<i32>} : memref<1024xi32, #tpu.memory_space<vmem>>, vector<16xi32>,
    %get3A_11 = arith.constant 64 : index
    %get3A_12 = tpu.vector_load %arg6[%get3A_11] {strides = array<i32>} : memref<1024xi32, #tpu.memory_space<vmem>>, vector<16xi32>,
    %get3A_13 = arith.constant 80 : index
    %get3A_14 = tpu.vector_load %arg6[%get3A_13] {strides = array<i32>} : memref<1024xi32, #tpu.memory_space<vmem>>, vector<16xi32>,
    %get3A_15 = arith.constant 96 : index
    %get3A_16 = tpu.vector_load %arg6[%get3A_15] {strides = array<i32>} : memref<1024xi32, #tpu.memory_space<vmem>>, vector<16xi32>,
    %get3A_17 = arith.constant 112 : index
    %get3A_18 = tpu.vector_load %arg6[%get3A_17] {strides = array<i32>} : memref<1024xi32, #tpu.memory_space<vmem>>, vector<16xi32>,
    %gather3A = tpu.vector_load_idx %arg5[%get3A_4] : memref<1000xf32, #tpu.memory_space<vmem>>[vector<16xi32>], vector<16xf32>,
    %gather3A_19 = tpu.vector_load_idx %arg5[%get3A_6] : memref<1000xf32, #tpu.memory_space<vmem>>[vector<16xi32>], vector<16xf32>,
    %gather3A_20 = tpu.vector_load_idx %arg5[%get3A_8] : memref<1000xf32, #tpu.memory_space<vmem>>[vector<16xi32>], vector<16xf32>,
    %gather3A_21 = tpu.vector_load_idx %arg5[%get3A_10] : memref<1000xf32, #tpu.memory_space<vmem>>[vector<16xi32>], vector<16xf32>,
    %gather3A_22 = tpu.vector_load_idx %arg5[%get3A_12] : memref<1000xf32, #tpu.memory_space<vmem>>[vector<16xi32>], vector<16xf32>,
    %gather3A_23 = tpu.vector_load_idx %arg5[%get3A_14] : memref<1000xf32, #tpu.memory_space<vmem>>[vector<16xi32>], vector<16xf32>,
    %gather3A_24 = tpu.vector_load_idx %arg5[%get3A_16] : memref<1000xf32, #tpu.memory_space<vmem>>[vector<16xi32>], vector<16xf32>,
    %gather3A_25 = tpu.vector_load_idx %arg5[%get3A_18] : memref<1000xf32, #tpu.memory_space<vmem>>[vector<16xi32>], vector<16xf32>,
    %max3A = arith.maximumf %gather3A, %broadcast_in_dim3A_3 : vector<16xf32>
    %swap3A = arith.constant 0 : index
    %swap3A_26 = tpu.vector_load %arg7[%swap3A] {strides = array<i32>} : memref<1024xf32, #tpu.memory_space<vmem>>, vector<16xf32>,
    tpu.vector_store %arg7[%swap3A], %max3A {strides = array<i32>} : memref<1024xf32, #tpu.memory_space<vmem>>, vector<16xf32>,
    %max3A_27 = arith.maximumf %gather3A_19, %broadcast_in_dim3A_3 : vector<16xf32>
    %swap3A_28 = arith.constant 16 : index
    %swap3A_29 = tpu.vector_load %arg7[%swap3A_28] {strides = array<i32>} : memref<1024xf32, #tpu.memory_space<vmem>>, vector<16xf32>,
    tpu.vector_store %arg7[%swap3A_28], %max3A_27 {strides = array<i32>} : memref<1024xf32, #tpu.memory_space<vmem>>, vector<16xf32>,
    %max3A_30 = arith.maximumf %gather3A_20, %broadcast_in_dim3A_3 : vector<16xf32>
    %swap3A_31 = arith.constant 32 : index
    %swap3A_32 = tpu.vector_load %arg7[%swap3A_31] {strides = array<i32>} : memref<1024xf32, #tpu.memory_space<vmem>>, vector<16xf32>,
    tpu.vector_store %arg7[%swap3A_31], %max3A_30 {strides = array<i32>} : memref<1024xf32, #tpu.memory_space<vmem>>, vector<16xf32>,
    %max3A_33 = arith.maximumf %gather3A_21, %broadcast_in_dim3A_3 : vector<16xf32>
    %swap3A_34 = arith.constant 48 : index
    %swap3A_35 = tpu.vector_load %arg7[%swap3A_34] {strides = array<i32>} : memref<1024xf32, #tpu.memory_space<vmem>>, vector<16xf32>,
    tpu.vector_store %arg7[%swap3A_34], %max3A_33 {strides = array<i32>} : memref<1024xf32, #tpu.memory_space<vmem>>, vector<16xf32>,
    %max3A_36 = arith.maximumf %gather3A_22, %broadcast_in_dim3A_3 : vector<16xf32>
    %swap3A_37 = arith.constant 64 : index
    %swap3A_38 = tpu.vector_load %arg7[%swap3A_37] {strides = array<i32>} : memref<1024xf32, #tpu.memory_space<vmem>>, vector<16xf32>,
    tpu.vector_store %arg7[%swap3A_37], %max3A_36 {strides = array<i32>} : memref<1024xf32, #tpu.memory_space<vmem>>, vector<16xf32>,
    %max3A_39 = arith.maximumf %gather3A_23, %broadcast_in_dim3A_3 : vector<16xf32>
    %swap3A_40 = arith.constant 80 : index
    %swap3A_41 = tpu.vector_load %arg7[%swap3A_40] {strides = array<i32>} : memref<1024xf32, #tpu.memory_space<vmem>>, vector<16xf32>,
    tpu.vector_store %arg7[%swap3A_40], %max3A_39 {strides = array<i32>} : memref<1024xf32, #tpu.memory_space<vmem>>, vector<16xf32>,
    %max3A_42 = arith.maximumf %gather3A_24, %broadcast_in_dim3A_3 : vector<16xf32>
    %swap3A_43 = arith.constant 96 : index
    %swap3A_44 = tpu.vector_load %arg7[%swap3A_43] {strides = array<i32>} : memref<1024xf32, #tpu.memory_space<vmem>>, vector<16xf32>,
    tpu.vector_store %arg7[%swap3A_43], %max3A_42 {strides = array<i32>} : memref<1024xf32, #tpu.memory_space<vmem>>, vector<16xf32>,
    %max3A_45 = arith.maximumf %gather3A_25, %broadcast_in_dim3A_3 : vector<16xf32>
    %swap3A_46 = arith.constant 112 : index
    %swap3A_47 = tpu.vector_load %arg7[%swap3A_46] {strides = array<i32>} : memref<1024xf32, #tpu.memory_space<vmem>>, vector<16xf32>,
    tpu.vector_store %arg7[%swap3A_46], %max3A_45 {strides = array<i32>} : memref<1024xf32, #tpu.memory_space<vmem>>, vector<16xf32>,
    %get3A_48 = arith.constant 128 : index
    %get3A_49 = tpu.vector_load %arg6[%get3A_48] {strides = array<i32>} : memref<1024xi32, #tpu.memory_space<vmem>>, vector<16xi32>,
    %get3A_50 = arith.constant 144 : index
    %get3A_51 = tpu.vector_load %arg6[%get3A_50] {strides = array<i32>} : memref<1024xi32, #tpu.memory_space<vmem>>, vector<16xi32>,
    %get3A_52 = arith.constant 160 : index
    %get3A_53 = tpu.vector_load %arg6[%get3A_52] {strides = array<i32>} : memref<1024xi32, #tpu.memory_space<vmem>>, vector<16xi32>,
    %get3A_54 = arith.constant 176 : index
    %get3A_55 = tpu.vector_load %arg6[%get3A_54] {strides = array<i32>} : memref<1024xi32, #tpu.memory_space<vmem>>, vector<16xi32>,
    %get3A_56 = arith.constant 192 : index
    %get3A_57 = tpu.vector_load %arg6[%get3A_56] {strides = array<i32>} : memref<1024xi32, #tpu.memory_space<vmem>>, vector<16xi32>,
    %get3A_58 = arith.constant 208 : index
    %get3A_59 = tpu.vector_load %arg6[%get3A_58] {strides = array<i32>} : memref<1024xi32, #tpu.memory_space<vmem>>, vector<16xi32>,
    %get3A_60 = arith.constant 224 : index
    %get3A_61 = tpu.vector_load %arg6[%get3A_60] {strides = array<i32>} : memref<1024xi32, #tpu.memory_space<vmem>>, vector<16xi32>,
    %get3A_62 = arith.constant 240 : index
    %get3A_63 = tpu.vector_load %arg6[%get3A_62] {strides = array<i32>} : memref<1024xi32, #tpu.memory_space<vmem>>, vector<16xi32>,
    %gather3A_64 = tpu.vector_load_idx %arg5[%get3A_49] : memref<1000xf32, #tpu.memory_space<vmem>>[vector<16xi32>], vector<16xf32>,
    %gather3A_65 = tpu.vector_load_idx %arg5[%get3A_51] : memref<1000xf32, #tpu.memory_space<vmem>>[vector<16xi32>], vector<16xf32>,
    %gather3A_66 = tpu.vector_load_idx %arg5[%get3A_53] : memref<1000xf32, #tpu.memory_space<vmem>>[vector<16xi32>], vector<16xf32>,
    %gather3A_67 = tpu.vector_load_idx %arg5[%get3A_55] : memref<1000xf32, #tpu.memory_space<vmem>>[vector<16xi32>], vector<16xf32>,
    %gather3A_68 = tpu.vector_load_idx %arg5[%get3A_57] : memref<1000xf32, #tpu.memory_space<vmem>>[vector<16xi32>], vector<16xf32>,
    %gather3A_69 = tpu.vector_load_idx %arg5[%get3A_59] : memref<1000xf32, #tpu.memory_space<vmem>>[vector<16xi32>], vector<16xf32>,
    %gather3A_70 = tpu.vector_load_idx %arg5[%get3A_61] : memref<1000xf32, #tpu.memory_space<vmem>>[vector<16xi32>], vector<16xf32>,
    %gather3A_71 = tpu.vector_load_idx %arg5[%get3A_63] : memref<1000xf32, #tpu.memory_space<vmem>>[vector<16xi32>], vector<16xf32>,
    %max3A_72 = arith.maximumf %gather3A_64, %broadcast_in_dim3A_3 : vector<16xf32>
    %swap3A_73 = arith.constant 128 : index
    %swap3A_74 = tpu.vector_load %arg7[%swap3A_73] {strides = array<i32>} : memref<1024xf32, #tpu.memory_space<vmem>>, vector<16xf32>,
    tpu.vector_store %arg7[%swap3A_73], %max3A_72 {strides = array<i32>} : memref<1024xf32, #tpu.memory_space<vmem>>, vector<16xf32>,
    %max3A_75 = arith.maximumf %gather3A_65, %broadcast_in_dim3A_3 : vector<16xf32>
    %swap3A_76 = arith.constant 144 : index
    %swap3A_77 = tpu.vector_load %arg7[%swap3A_76] {strides = array<i32>} : memref<1024xf32, #tpu.memory_space<vmem>>, vector<16xf32>,
    tpu.vector_store %arg7[%swap3A_76], %max3A_75 {strides = array<i32>} : memref<1024xf32, #tpu.memory_space<vmem>>, vector<16xf32>,
    %max3A_78 = arith.maximumf %gather3A_66, %broadcast_in_dim3A_3 : vector<16xf32>
    %swap3A_79 = arith.constant 160 : index
    %swap3A_80 = tpu.vector_load %arg7[%swap3A_79] {strides = array<i32>} : memref<1024xf32, #tpu.memory_space<vmem>>, vector<16xf32>,
    tpu.vector_store %arg7[%swap3A_79], %max3A_78 {strides = array<i32>} : memref<1024xf32, #tpu.memory_space<vmem>>, vector<16xf32>,
    %max3A_81 = arith.maximumf %gather3A_67, %broadcast_in_dim3A_3 : vector<16xf32>
    %swap3A_82 = arith.constant 176 : index
    %swap3A_83 = tpu.vector_load %arg7[%swap3A_82] {strides = array<i32>} : memref<1024xf32, #tpu.memory_space<vmem>>, vector<16xf32>,
    tpu.vector_store %arg7[%swap3A_82], %max3A_81 {strides = array<i32>} : memref<1024xf32, #tpu.memory_space<vmem>>, vector<16xf32>,
    %max3A_84 = arith.maximumf %gather3A_68, %broadcast_in_dim3A_3 : vector<16xf32>
    %swap3A_85 = arith.constant 192 : index
    %swap3A_86 = tpu.vector_load %arg7[%swap3A_85] {strides = array<i32>} : memref<1024xf32, #tpu.memory_space<vmem>>, vector<16xf32>,
    tpu.vector_store %arg7[%swap3A_85], %max3A_84 {strides = array<i32>} : memref<1024xf32, #tpu.memory_space<vmem>>, vector<16xf32>,
    %max3A_87 = arith.maximumf %gather3A_69, %broadcast_in_dim3A_3 : vector<16xf32>
    %swap3A_88 = arith.constant 208 : index
    %swap3A_89 = tpu.vector_load %arg7[%swap3A_88] {strides = array<i32>} : memref<1024xf32, #tpu.memory_space<vmem>>, vector<16xf32>,
    tpu.vector_store %arg7[%swap3A_88], %max3A_87 {strides = array<i32>} : memref<1024xf32, #tpu.memory_space<vmem>>, vector<16xf32>,
    %max3A_90 = arith.maximumf %gather3A_70, %broadcast_in_dim3A_3 : vector<16xf32>
    %swap3A_91 = arith.constant 224 : index
    %swap3A_92 = tpu.vector_load %arg7[%swap3A_91] {strides = array<i32>} : memref<1024xf32, #tpu.memory_space<vmem>>, vector<16xf32>,
    tpu.vector_store %arg7[%swap3A_91], %max3A_90 {strides = array<i32>} : memref<1024xf32, #tpu.memory_space<vmem>>, vector<16xf32>,
    %max3A_93 = arith.maximumf %gather3A_71, %broadcast_in_dim3A_3 : vector<16xf32>
    %swap3A_94 = arith.constant 240 : index
    %swap3A_95 = tpu.vector_load %arg7[%swap3A_94] {strides = array<i32>} : memref<1024xf32, #tpu.memory_space<vmem>>, vector<16xf32>,
    tpu.vector_store %arg7[%swap3A_94], %max3A_93 {strides = array<i32>} : memref<1024xf32, #tpu.memory_space<vmem>>, vector<16xf32>,
    %get3A_96 = arith.constant 256 : index
    %get3A_97 = tpu.vector_load %arg6[%get3A_96] {strides = array<i32>} : memref<1024xi32, #tpu.memory_space<vmem>>, vector<16xi32>,
    %get3A_98 = arith.constant 272 : index
    %get3A_99 = tpu.vector_load %arg6[%get3A_98] {strides = array<i32>} : memref<1024xi32, #tpu.memory_space<vmem>>, vector<16xi32>,
    %get3A_100 = arith.constant 288 : index
    %get3A_101 = tpu.vector_load %arg6[%get3A_100] {strides = array<i32>} : memref<1024xi32, #tpu.memory_space<vmem>>, vector<16xi32>,
    %get3A_102 = arith.constant 304 : index
    %get3A_103 = tpu.vector_load %arg6[%get3A_102] {strides = array<i32>} : memref<1024xi32, #tpu.memory_space<vmem>>, vector<16xi32>,
    %get3A_104 = arith.constant 320 : index
    %get3A_105 = tpu.vector_load %arg6[%get3A_104] {strides = array<i32>} : memref<1024xi32, #tpu.memory_space<vmem>>, vector<16xi32>,
    %get3A_106 = arith.constant 336 : index
    %get3A_107 = tpu.vector_load %arg6[%get3A_106] {strides = array<i32>} : memref<1024xi32, #tpu.memory_space<vmem>>, vector<16xi32>,
    %get3A_108 = arith.constant 352 : index
    %get3A_109 = tpu.vector_load %arg6[%get3A_108] {strides = array<i32>} : memref<1024xi32, #tpu.memory_space<vmem>>, vector<16xi32>,
    %get3A_110 = arith.constant 368 : index
    %get3A_111 = tpu.vector_load %arg6[%get3A_110] {strides = array<i32>} : memref<1024xi32, #tpu.memory_space<vmem>>, vector<16xi32>,
    %gather3A_112 = tpu.vector_load_idx %arg5[%get3A_97] : memref<1000xf32, #tpu.memory_space<vmem>>[vector<16xi32>], vector<16xf32>,
    %gather3A_113 = tpu.vector_load_idx %arg5[%get3A_99] : memref<1000xf32, #tpu.memory_space<vmem>>[vector<16xi32>], vector<16xf32>,
    %gather3A_114 = tpu.vector_load_idx %arg5[%get3A_101] : memref<1000xf32, #tpu.memory_space<vmem>>[vector<16xi32>], vector<16xf32>,
    %gather3A_115 = tpu.vector_load_idx %arg5[%get3A_103] : memref<1000xf32, #tpu.memory_space<vmem>>[vector<16xi32>], vector<16xf32>,
    %gather3A_116 = tpu.vector_load_idx %arg5[%get3A_105] : memref<1000xf32, #tpu.memory_space<vmem>>[vector<16xi32>], vector<16xf32>,
    %gather3A_117 = tpu.vector_load_idx %arg5[%get3A_107] : memref<1000xf32, #tpu.memory_space<vmem>>[vector<16xi32>], vector<16xf32>,
    %gather3A_118 = tpu.vector_load_idx %arg5[%get3A_109] : memref<1000xf32, #tpu.memory_space<vmem>>[vector<16xi32>], vector<16xf32>,
    %gather3A_119 = tpu.vector_load_idx %arg5[%get3A_111] : memref<1000xf32, #tpu.memory_space<vmem>>[vector<16xi32>], vector<16xf32>,
    %max3A_120 = arith.maximumf %gather3A_112, %broadcast_in_dim3A_3 : vector<16xf32>
    %swap3A_121 = arith.constant 256 : index
    %swap3A_122 = tpu.vector_load %arg7[%swap3A_121] {strides = array<i32>} : memref<1024xf32, #tpu.memory_space<vmem>>, vector<16xf32>,
    tpu.vector_store %arg7[%swap3A_121], %max3A_120 {strides = array<i32>} : memref<1024xf32, #tpu.memory_space<vmem>>, vector<16xf32>,
    %max3A_123 = arith.maximumf %gather3A_113, %broadcast_in_dim3A_3 : vector<16xf32>
    %swap3A_124 = arith.constant 272 : index
    %swap3A_125 = tpu.vector_load %arg7[%swap3A_124] {strides = array<i32>} : memref<1024xf32, #tpu.memory_space<vmem>>, vector<16xf32>,
    tpu.vector_store %arg7[%swap3A_124], %max3A_123 {strides = array<i32>} : memref<1024xf32, #tpu.memory_space<vmem>>, vector<16xf32>,
    %max3A_126 = arith.maximumf %gather3A_114, %broadcast_in_dim3A_3 : vector<16xf32>
    %swap3A_127 = arith.constant 288 : index
    %swap3A_128 = tpu.vector_load %arg7[%swap3A_127] {strides = array<i32>} : memref<1024xf32, #tpu.memory_space<vmem>>, vector<16xf32>,
    tpu.vector_store %arg7[%swap3A_127], %max3A_126 {strides = array<i32>} : memref<1024xf32, #tpu.memory_space<vmem>>, vector<16xf32>,
    %max3A_129 = arith.maximumf %gather3A_115, %broadcast_in_dim3A_3 : vector<16xf32>
    %swap3A_130 = arith.constant 304 : index
    %swap3A_131 = tpu.vector_load %arg7[%swap3A_130] {strides = array<i32>} : memref<1024xf32, #tpu.memory_space<vmem>>, vector<16xf32>,
    tpu.vector_store %arg7[%swap3A_130], %max3A_129 {strides = array<i32>} : memref<1024xf32, #tpu.memory_space<vmem>>, vector<16xf32>,
    %max3A_132 = arith.maximumf %gather3A_116, %broadcast_in_dim3A_3 : vector<16xf32>
    %swap3A_133 = arith.constant 320 : index
    %swap3A_134 = tpu.vector_load %arg7[%swap3A_133] {strides = array<i32>} : memref<1024xf32, #tpu.memory_space<vmem>>, vector<16xf32>,
    tpu.vector_store %arg7[%swap3A_133], %max3A_132 {strides = array<i32>} : memref<1024xf32, #tpu.memory_space<vmem>>, vector<16xf32>,
    %max3A_135 = arith.maximumf %gather3A_117, %broadcast_in_dim3A_3 : vector<16xf32>
    %swap3A_136 = arith.constant 336 : index
    %swap3A_137 = tpu.vector_load %arg7[%swap3A_136] {strides = array<i32>} : memref<1024xf32, #tpu.memory_space<vmem>>, vector<16xf32>,
    tpu.vector_store %arg7[%swap3A_136], %max3A_135 {strides = array<i32>} : memref<1024xf32, #tpu.memory_space<vmem>>, vector<16xf32>,
    %max3A_138 = arith.maximumf %gather3A_118, %broadcast_in_dim3A_3 : vector<16xf32>
    %swap3A_139 = arith.constant 352 : index
    %swap3A_140 = tpu.vector_load %arg7[%swap3A_139] {strides = array<i32>} : memref<1024xf32, #tpu.memory_space<vmem>>, vector<16xf32>,
    tpu.vector_store %arg7[%swap3A_139], %max3A_138 {strides = array<i32>} : memref<1024xf32, #tpu.memory_space<vmem>>, vector<16xf32>,
    %max3A_141 = arith.maximumf %gather3A_119, %broadcast_in_dim3A_3 : vector<16xf32>
    %swap3A_142 = arith.constant 368 : index
    %swap3A_143 = tpu.vector_load %arg7[%swap3A_142] {strides = array<i32>} : memref<1024xf32, #tpu.memory_space<vmem>>, vector<16xf32>,
    tpu.vector_store %arg7[%swap3A_142], %max3A_141 {strides = array<i32>} : memref<1024xf32, #tpu.memory_space<vmem>>, vector<16xf32>,
    %get3A_144 = arith.constant 384 : index
    %get3A_145 = tpu.vector_load %arg6[%get3A_144] {strides = array<i32>} : memref<1024xi32, #tpu.memory_space<vmem>>, vector<16xi32>,
    %get3A_146 = arith.constant 400 : index
    %get3A_147 = tpu.vector_load %arg6[%get3A_146] {strides = array<i32>} : memref<1024xi32, #tpu.memory_space<vmem>>, vector<16xi32>,
    %get3A_148 = arith.constant 416 : index
    %get3A_149 = tpu.vector_load %arg6[%get3A_148] {strides = array<i32>} : memref<1024xi32, #tpu.memory_space<vmem>>, vector<16xi32>,
    %get3A_150 = arith.constant 432 : index
    %get3A_151 = tpu.vector_load %arg6[%get3A_150] {strides = array<i32>} : memref<1024xi32, #tpu.memory_space<vmem>>, vector<16xi32>,
    %get3A_152 = arith.constant 448 : index
    %get3A_153 = tpu.vector_load %arg6[%get3A_152] {strides = array<i32>} : memref<1024xi32, #tpu.memory_space<vmem>>, vector<16xi32>,
    %get3A_154 = arith.constant 464 : index
    %get3A_155 = tpu.vector_load %arg6[%get3A_154] {strides = array<i32>} : memref<1024xi32, #tpu.memory_space<vmem>>, vector<16xi32>,
    %get3A_156 = arith.constant 480 : index
    %get3A_157 = tpu.vector_load %arg6[%get3A_156] {strides = array<i32>} : memref<1024xi32, #tpu.memory_space<vmem>>, vector<16xi32>,
    %get3A_158 = arith.constant 496 : index
    %get3A_159 = tpu.vector_load %arg6[%get3A_158] {strides = array<i32>} : memref<1024xi32, #tpu.memory_space<vmem>>, vector<16xi32>,
    %gather3A_160 = tpu.vector_load_idx %arg5[%get3A_145] : memref<1000xf32, #tpu.memory_space<vmem>>[vector<16xi32>], vector<16xf32>,
    %gather3A_161 = tpu.vector_load_idx %arg5[%get3A_147] : memref<1000xf32, #tpu.memory_space<vmem>>[vector<16xi32>], vector<16xf32>,
    %gather3A_162 = tpu.vector_load_idx %arg5[%get3A_149] : memref<1000xf32, #tpu.memory_space<vmem>>[vector<16xi32>], vector<16xf32>,
    %gather3A_163 = tpu.vector_load_idx %arg5[%get3A_151] : memref<1000xf32, #tpu.memory_space<vmem>>[vector<16xi32>], vector<16xf32>,
    %gather3A_164 = tpu.vector_load_idx %arg5[%get3A_153] : memref<1000xf32, #tpu.memory_space<vmem>>[vector<16xi32>], vector<16xf32>,
    %gather3A_165 = tpu.vector_load_idx %arg5[%get3A_155] : memref<1000xf32, #tpu.memory_space<vmem>>[vector<16xi32>], vector<16xf32>,
    %gather3A_166 = tpu.vector_load_idx %arg5[%get3A_157] : memref<1000xf32, #tpu.memory_space<vmem>>[vector<16xi32>], vector<16xf32>,
    %gather3A_167 = tpu.vector_load_idx %arg5[%get3A_159] : memref<1000xf32, #tpu.memory_space<vmem>>[vector<16xi32>], vector<16xf32>,
    %max3A_168 = arith.maximumf %gather3A_160, %broadcast_in_dim3A_3 : vector<16xf32>
    %swap3A_169 = arith.constant 384 : index
    %swap3A_170 = tpu.vector_load %arg7[%swap3A_169] {strides = array<i32>} : memref<1024xf32, #tpu.memory_space<vmem>>, vector<16xf32>,
    tpu.vector_store %arg7[%swap3A_169], %max3A_168 {strides = array<i32>} : memref<1024xf32, #tpu.memory_space<vmem>>, vector<16xf32>,
    %max3A_171 = arith.maximumf %gather3A_161, %broadcast_in_dim3A_3 : vector<16xf32>
    %swap3A_172 = arith.constant 400 : index
    %swap3A_173 = tpu.vector_load %arg7[%swap3A_172] {strides = array<i32>} : memref<1024xf32, #tpu.memory_space<vmem>>, vector<16xf32>,
    tpu.vector_store %arg7[%swap3A_172], %max3A_171 {strides = array<i32>} : memref<1024xf32, #tpu.memory_space<vmem>>, vector<16xf32>,
    %max3A_174 = arith.maximumf %gather3A_162, %broadcast_in_dim3A_3 : vector<16xf32>
    %swap3A_175 = arith.constant 416 : index
    %swap3A_176 = tpu.vector_load %arg7[%swap3A_175] {strides = array<i32>} : memref<1024xf32, #tpu.memory_space<vmem>>, vector<16xf32>,
    tpu.vector_store %arg7[%swap3A_175], %max3A_174 {strides = array<i32>} : memref<1024xf32, #tpu.memory_space<vmem>>, vector<16xf32>,
    %max3A_177 = arith.maximumf %gather3A_163, %broadcast_in_dim3A_3 : vector<16xf32>
    %swap3A_178 = arith.constant 432 : index
    %swap3A_179 = tpu.vector_load %arg7[%swap3A_178] {strides = array<i32>} : memref<1024xf32, #tpu.memory_space<vmem>>, vector<16xf32>,
    tpu.vector_store %arg7[%swap3A_178], %max3A_177 {strides = array<i32>} : memref<1024xf32, #tpu.memory_space<vmem>>, vector<16xf32>,
    %max3A_180 = arith.maximumf %gather3A_164, %broadcast_in_dim3A_3 : vector<16xf32>
    %swap3A_181 = arith.constant 448 : index
    %swap3A_182 = tpu.vector_load %arg7[%swap3A_181] {strides = array<i32>} : memref<1024xf32, #tpu.memory_space<vmem>>, vector<16xf32>,
    tpu.vector_store %arg7[%swap3A_181], %max3A_180 {strides = array<i32>} : memref<1024xf32, #tpu.memory_space<vmem>>, vector<16xf32>,
    %max3A_183 = arith.maximumf %gather3A_165, %broadcast_in_dim3A_3 : vector<16xf32>
    %swap3A_184 = arith.constant 464 : index
    %swap3A_185 = tpu.vector_load %arg7[%swap3A_184] {strides = array<i32>} : memref<1024xf32, #tpu.memory_space<vmem>>, vector<16xf32>,
    tpu.vector_store %arg7[%swap3A_184], %max3A_183 {strides = array<i32>} : memref<1024xf32, #tpu.memory_space<vmem>>, vector<16xf32>,
    %max3A_186 = arith.maximumf %gather3A_166, %broadcast_in_dim3A_3 : vector<16xf32>
    %swap3A_187 = arith.constant 480 : index
    %swap3A_188 = tpu.vector_load %arg7[%swap3A_187] {strides = array<i32>} : memref<1024xf32, #tpu.memory_space<vmem>>, vector<16xf32>,
    tpu.vector_store %arg7[%swap3A_187], %max3A_186 {strides = array<i32>} : memref<1024xf32, #tpu.memory_space<vmem>>, vector<16xf32>,
    %max3A_189 = arith.maximumf %gather3A_167, %broadcast_in_dim3A_3 : vector<16xf32>
    %swap3A_190 = arith.constant 496 : index
    %swap3A_191 = tpu.vector_load %arg7[%swap3A_190] {strides = array<i32>} : memref<1024xf32, #tpu.memory_space<vmem>>, vector<16xf32>,
    tpu.vector_store %arg7[%swap3A_190], %max3A_189 {strides = array<i32>} : memref<1024xf32, #tpu.memory_space<vmem>>, vector<16xf32>,
    %dma_start3A_192 = arith.constant 0 : i32
    %dma_start3A_193 = tpu.memref_slice %arg7[%dma_start3A_192] : memref<1024xf32, #tpu.memory_space<vmem>> -> memref<512xf32, #tpu.memory_space<vmem>>
    %dma_start3A_194 = tpu.memref_slice %arg4[%mul3A_0] : memref<16384xf32, #tpu.memory_space<hbm>> -> memref<512xf32, #tpu.memory_space<hbm>>
    %dma_start3A_195 = tpu.memref_slice %arg4[%mul3A_0] : memref<16384xf32, #tpu.memory_space<hbm>> -> memref<512xf32, #tpu.memory_space<hbm>>
    %dma_start3A_196 = arith.constant 0 : i32
    %dma_start3A_197 = tpu.memref_slice %arg7[%dma_start3A_196] : memref<1024xf32, #tpu.memory_space<vmem>> -> memref<512xf32, #tpu.memory_space<vmem>>
    tpu.enqueue_dma source(%dma_start3A_197 : memref<512xf32, #tpu.memory_space<vmem>>) target(%dma_start3A_195 : memref<512xf32, #tpu.memory_space<hbm>>) target_semaphore(%arg10 : memref<!tpu.dma_semaphore, #tpu.memory_space<semaphore_mem>>)
    %get3A_198 = arith.constant 512 : index
    %get3A_199 = tpu.vector_load %arg6[%get3A_198] {strides = array<i32>} : memref<1024xi32, #tpu.memory_space<vmem>>, vector<16xi32>,
    %get3A_200 = arith.constant 528 : index
    %get3A_201 = tpu.vector_load %arg6[%get3A_200] {strides = array<i32>} : memref<1024xi32, #tpu.memory_space<vmem>>, vector<16xi32>,
    %get3A_202 = arith.constant 544 : index
    %get3A_203 = tpu.vector_load %arg6[%get3A_202] {strides = array<i32>} : memref<1024xi32, #tpu.memory_space<vmem>>, vector<16xi32>,
    %get3A_204 = arith.constant 560 : index
    %get3A_205 = tpu.vector_load %arg6[%get3A_204] {strides = array<i32>} : memref<1024xi32, #tpu.memory_space<vmem>>, vector<16xi32>,
    %get3A_206 = arith.constant 576 : index
    %get3A_207 = tpu.vector_load %arg6[%get3A_206] {strides = array<i32>} : memref<1024xi32, #tpu.memory_space<vmem>>, vector<16xi32>,
    %get3A_208 = arith.constant 592 : index
    %get3A_209 = tpu.vector_load %arg6[%get3A_208] {strides = array<i32>} : memref<1024xi32, #tpu.memory_space<vmem>>, vector<16xi32>,
    %get3A_210 = arith.constant 608 : index
    %get3A_211 = tpu.vector_load %arg6[%get3A_210] {strides = array<i32>} : memref<1024xi32, #tpu.memory_space<vmem>>, vector<16xi32>,
    %get3A_212 = arith.constant 624 : index
    %get3A_213 = tpu.vector_load %arg6[%get3A_212] {strides = array<i32>} : memref<1024xi32, #tpu.memory_space<vmem>>, vector<16xi32>,
    %gather3A_214 = tpu.vector_load_idx %arg5[%get3A_199] : memref<1000xf32, #tpu.memory_space<vmem>>[vector<16xi32>], vector<16xf32>,
    %gather3A_215 = tpu.vector_load_idx %arg5[%get3A_201] : memref<1000xf32, #tpu.memory_space<vmem>>[vector<16xi32>], vector<16xf32>,
    %gather3A_216 = tpu.vector_load_idx %arg5[%get3A_203] : memref<1000xf32, #tpu.memory_space<vmem>>[vector<16xi32>], vector<16xf32>,
    %gather3A_217 = tpu.vector_load_idx %arg5[%get3A_205] : memref<1000xf32, #tpu.memory_space<vmem>>[vector<16xi32>], vector<16xf32>,
    %gather3A_218 = tpu.vector_load_idx %arg5[%get3A_207] : memref<1000xf32, #tpu.memory_space<vmem>>[vector<16xi32>], vector<16xf32>,
    %gather3A_219 = tpu.vector_load_idx %arg5[%get3A_209] : memref<1000xf32, #tpu.memory_space<vmem>>[vector<16xi32>], vector<16xf32>,
    %gather3A_220 = tpu.vector_load_idx %arg5[%get3A_211] : memref<1000xf32, #tpu.memory_space<vmem>>[vector<16xi32>], vector<16xf32>,
    %gather3A_221 = tpu.vector_load_idx %arg5[%get3A_213] : memref<1000xf32, #tpu.memory_space<vmem>>[vector<16xi32>], vector<16xf32>,
    %max3A_222 = arith.maximumf %gather3A_214, %broadcast_in_dim3A_3 : vector<16xf32>
    %swap3A_223 = arith.constant 512 : index
    %swap3A_224 = tpu.vector_load %arg7[%swap3A_223] {strides = array<i32>} : memref<1024xf32, #tpu.memory_space<vmem>>, vector<16xf32>,
    tpu.vector_store %arg7[%swap3A_223], %max3A_222 {strides = array<i32>} : memref<1024xf32, #tpu.memory_space<vmem>>, vector<16xf32>,
    %max3A_225 = arith.maximumf %gather3A_215, %broadcast_in_dim3A_3 : vector<16xf32>
    %swap3A_226 = arith.constant 528 : index
    %swap3A_227 = tpu.vector_load %arg7[%swap3A_226] {strides = array<i32>} : memref<1024xf32, #tpu.memory_space<vmem>>, vector<16xf32>,
    tpu.vector_store %arg7[%swap3A_226], %max3A_225 {strides = array<i32>} : memref<1024xf32, #tpu.memory_space<vmem>>, vector<16xf32>,
    %max3A_228 = arith.maximumf %gather3A_216, %broadcast_in_dim3A_3 : vector<16xf32>
    %swap3A_229 = arith.constant 544 : index
    %swap3A_230 = tpu.vector_load %arg7[%swap3A_229] {strides = array<i32>} : memref<1024xf32, #tpu.memory_space<vmem>>, vector<16xf32>,
    tpu.vector_store %arg7[%swap3A_229], %max3A_228 {strides = array<i32>} : memref<1024xf32, #tpu.memory_space<vmem>>, vector<16xf32>,
    %max3A_231 = arith.maximumf %gather3A_217, %broadcast_in_dim3A_3 : vector<16xf32>
    %swap3A_232 = arith.constant 560 : index
    %swap3A_233 = tpu.vector_load %arg7[%swap3A_232] {strides = array<i32>} : memref<1024xf32, #tpu.memory_space<vmem>>, vector<16xf32>,
    tpu.vector_store %arg7[%swap3A_232], %max3A_231 {strides = array<i32>} : memref<1024xf32, #tpu.memory_space<vmem>>, vector<16xf32>,
    %max3A_234 = arith.maximumf %gather3A_218, %broadcast_in_dim3A_3 : vector<16xf32>
    %swap3A_235 = arith.constant 576 : index
    %swap3A_236 = tpu.vector_load %arg7[%swap3A_235] {strides = array<i32>} : memref<1024xf32, #tpu.memory_space<vmem>>, vector<16xf32>,
    tpu.vector_store %arg7[%swap3A_235], %max3A_234 {strides = array<i32>} : memref<1024xf32, #tpu.memory_space<vmem>>, vector<16xf32>,
    %max3A_237 = arith.maximumf %gather3A_219, %broadcast_in_dim3A_3 : vector<16xf32>
    %swap3A_238 = arith.constant 592 : index
    %swap3A_239 = tpu.vector_load %arg7[%swap3A_238] {strides = array<i32>} : memref<1024xf32, #tpu.memory_space<vmem>>, vector<16xf32>,
    tpu.vector_store %arg7[%swap3A_238], %max3A_237 {strides = array<i32>} : memref<1024xf32, #tpu.memory_space<vmem>>, vector<16xf32>,
    %max3A_240 = arith.maximumf %gather3A_220, %broadcast_in_dim3A_3 : vector<16xf32>
    %swap3A_241 = arith.constant 608 : index
    %swap3A_242 = tpu.vector_load %arg7[%swap3A_241] {strides = array<i32>} : memref<1024xf32, #tpu.memory_space<vmem>>, vector<16xf32>,
    tpu.vector_store %arg7[%swap3A_241], %max3A_240 {strides = array<i32>} : memref<1024xf32, #tpu.memory_space<vmem>>, vector<16xf32>,
    %max3A_243 = arith.maximumf %gather3A_221, %broadcast_in_dim3A_3 : vector<16xf32>
    %swap3A_244 = arith.constant 624 : index
    %swap3A_245 = tpu.vector_load %arg7[%swap3A_244] {strides = array<i32>} : memref<1024xf32, #tpu.memory_space<vmem>>, vector<16xf32>,
    tpu.vector_store %arg7[%swap3A_244], %max3A_243 {strides = array<i32>} : memref<1024xf32, #tpu.memory_space<vmem>>, vector<16xf32>,
    %get3A_246 = arith.constant 640 : index
    %get3A_247 = tpu.vector_load %arg6[%get3A_246] {strides = array<i32>} : memref<1024xi32, #tpu.memory_space<vmem>>, vector<16xi32>,
    %get3A_248 = arith.constant 656 : index
    %get3A_249 = tpu.vector_load %arg6[%get3A_248] {strides = array<i32>} : memref<1024xi32, #tpu.memory_space<vmem>>, vector<16xi32>,
    %get3A_250 = arith.constant 672 : index
    %get3A_251 = tpu.vector_load %arg6[%get3A_250] {strides = array<i32>} : memref<1024xi32, #tpu.memory_space<vmem>>, vector<16xi32>,
    %get3A_252 = arith.constant 688 : index
    %get3A_253 = tpu.vector_load %arg6[%get3A_252] {strides = array<i32>} : memref<1024xi32, #tpu.memory_space<vmem>>, vector<16xi32>,
    %get3A_254 = arith.constant 704 : index
    %get3A_255 = tpu.vector_load %arg6[%get3A_254] {strides = array<i32>} : memref<1024xi32, #tpu.memory_space<vmem>>, vector<16xi32>,
    %get3A_256 = arith.constant 720 : index
    %get3A_257 = tpu.vector_load %arg6[%get3A_256] {strides = array<i32>} : memref<1024xi32, #tpu.memory_space<vmem>>, vector<16xi32>,
    %get3A_258 = arith.constant 736 : index
    %get3A_259 = tpu.vector_load %arg6[%get3A_258] {strides = array<i32>} : memref<1024xi32, #tpu.memory_space<vmem>>, vector<16xi32>,
    %get3A_260 = arith.constant 752 : index
    %get3A_261 = tpu.vector_load %arg6[%get3A_260] {strides = array<i32>} : memref<1024xi32, #tpu.memory_space<vmem>>, vector<16xi32>,
    %gather3A_262 = tpu.vector_load_idx %arg5[%get3A_247] : memref<1000xf32, #tpu.memory_space<vmem>>[vector<16xi32>], vector<16xf32>,
    %gather3A_263 = tpu.vector_load_idx %arg5[%get3A_249] : memref<1000xf32, #tpu.memory_space<vmem>>[vector<16xi32>], vector<16xf32>,
    %gather3A_264 = tpu.vector_load_idx %arg5[%get3A_251] : memref<1000xf32, #tpu.memory_space<vmem>>[vector<16xi32>], vector<16xf32>,
    %gather3A_265 = tpu.vector_load_idx %arg5[%get3A_253] : memref<1000xf32, #tpu.memory_space<vmem>>[vector<16xi32>], vector<16xf32>,
    %gather3A_266 = tpu.vector_load_idx %arg5[%get3A_255] : memref<1000xf32, #tpu.memory_space<vmem>>[vector<16xi32>], vector<16xf32>,
    %gather3A_267 = tpu.vector_load_idx %arg5[%get3A_257] : memref<1000xf32, #tpu.memory_space<vmem>>[vector<16xi32>], vector<16xf32>,
    %gather3A_268 = tpu.vector_load_idx %arg5[%get3A_259] : memref<1000xf32, #tpu.memory_space<vmem>>[vector<16xi32>], vector<16xf32>,
    %gather3A_269 = tpu.vector_load_idx %arg5[%get3A_261] : memref<1000xf32, #tpu.memory_space<vmem>>[vector<16xi32>], vector<16xf32>,
    %max3A_270 = arith.maximumf %gather3A_262, %broadcast_in_dim3A_3 : vector<16xf32>
    %swap3A_271 = arith.constant 640 : index
    %swap3A_272 = tpu.vector_load %arg7[%swap3A_271] {strides = array<i32>} : memref<1024xf32, #tpu.memory_space<vmem>>, vector<16xf32>,
    tpu.vector_store %arg7[%swap3A_271], %max3A_270 {strides = array<i32>} : memref<1024xf32, #tpu.memory_space<vmem>>, vector<16xf32>,
    %max3A_273 = arith.maximumf %gather3A_263, %broadcast_in_dim3A_3 : vector<16xf32>
    %swap3A_274 = arith.constant 656 : index
    %swap3A_275 = tpu.vector_load %arg7[%swap3A_274] {strides = array<i32>} : memref<1024xf32, #tpu.memory_space<vmem>>, vector<16xf32>,
    tpu.vector_store %arg7[%swap3A_274], %max3A_273 {strides = array<i32>} : memref<1024xf32, #tpu.memory_space<vmem>>, vector<16xf32>,
    %max3A_276 = arith.maximumf %gather3A_264, %broadcast_in_dim3A_3 : vector<16xf32>
    %swap3A_277 = arith.constant 672 : index
    %swap3A_278 = tpu.vector_load %arg7[%swap3A_277] {strides = array<i32>} : memref<1024xf32, #tpu.memory_space<vmem>>, vector<16xf32>,
    tpu.vector_store %arg7[%swap3A_277], %max3A_276 {strides = array<i32>} : memref<1024xf32, #tpu.memory_space<vmem>>, vector<16xf32>,
    %max3A_279 = arith.maximumf %gather3A_265, %broadcast_in_dim3A_3 : vector<16xf32>
    %swap3A_280 = arith.constant 688 : index
    %swap3A_281 = tpu.vector_load %arg7[%swap3A_280] {strides = array<i32>} : memref<1024xf32, #tpu.memory_space<vmem>>, vector<16xf32>,
    tpu.vector_store %arg7[%swap3A_280], %max3A_279 {strides = array<i32>} : memref<1024xf32, #tpu.memory_space<vmem>>, vector<16xf32>,
    %max3A_282 = arith.maximumf %gather3A_266, %broadcast_in_dim3A_3 : vector<16xf32>
    %swap3A_283 = arith.constant 704 : index
    %swap3A_284 = tpu.vector_load %arg7[%swap3A_283] {strides = array<i32>} : memref<1024xf32, #tpu.memory_space<vmem>>, vector<16xf32>,
    tpu.vector_store %arg7[%swap3A_283], %max3A_282 {strides = array<i32>} : memref<1024xf32, #tpu.memory_space<vmem>>, vector<16xf32>,
    %max3A_285 = arith.maximumf %gather3A_267, %broadcast_in_dim3A_3 : vector<16xf32>
    %swap3A_286 = arith.constant 720 : index
    %swap3A_287 = tpu.vector_load %arg7[%swap3A_286] {strides = array<i32>} : memref<1024xf32, #tpu.memory_space<vmem>>, vector<16xf32>,
    tpu.vector_store %arg7[%swap3A_286], %max3A_285 {strides = array<i32>} : memref<1024xf32, #tpu.memory_space<vmem>>, vector<16xf32>,
    %max3A_288 = arith.maximumf %gather3A_268, %broadcast_in_dim3A_3 : vector<16xf32>
    %swap3A_289 = arith.constant 736 : index
    %swap3A_290 = tpu.vector_load %arg7[%swap3A_289] {strides = array<i32>} : memref<1024xf32, #tpu.memory_space<vmem>>, vector<16xf32>,
    tpu.vector_store %arg7[%swap3A_289], %max3A_288 {strides = array<i32>} : memref<1024xf32, #tpu.memory_space<vmem>>, vector<16xf32>,
    %max3A_291 = arith.maximumf %gather3A_269, %broadcast_in_dim3A_3 : vector<16xf32>
    %swap3A_292 = arith.constant 752 : index
    %swap3A_293 = tpu.vector_load %arg7[%swap3A_292] {strides = array<i32>} : memref<1024xf32, #tpu.memory_space<vmem>>, vector<16xf32>,
    tpu.vector_store %arg7[%swap3A_292], %max3A_291 {strides = array<i32>} : memref<1024xf32, #tpu.memory_space<vmem>>, vector<16xf32>,
    %get3A_294 = arith.constant 768 : index
    %get3A_295 = tpu.vector_load %arg6[%get3A_294] {strides = array<i32>} : memref<1024xi32, #tpu.memory_space<vmem>>, vector<16xi32>,
    %get3A_296 = arith.constant 784 : index
    %get3A_297 = tpu.vector_load %arg6[%get3A_296] {strides = array<i32>} : memref<1024xi32, #tpu.memory_space<vmem>>, vector<16xi32>,
    %get3A_298 = arith.constant 800 : index
    %get3A_299 = tpu.vector_load %arg6[%get3A_298] {strides = array<i32>} : memref<1024xi32, #tpu.memory_space<vmem>>, vector<16xi32>,
    %get3A_300 = arith.constant 816 : index
    %get3A_301 = tpu.vector_load %arg6[%get3A_300] {strides = array<i32>} : memref<1024xi32, #tpu.memory_space<vmem>>, vector<16xi32>,
    %get3A_302 = arith.constant 832 : index
    %get3A_303 = tpu.vector_load %arg6[%get3A_302] {strides = array<i32>} : memref<1024xi32, #tpu.memory_space<vmem>>, vector<16xi32>,
    %get3A_304 = arith.constant 848 : index
    %get3A_305 = tpu.vector_load %arg6[%get3A_304] {strides = array<i32>} : memref<1024xi32, #tpu.memory_space<vmem>>, vector<16xi32>,
    %get3A_306 = arith.constant 864 : index
    %get3A_307 = tpu.vector_load %arg6[%get3A_306] {strides = array<i32>} : memref<1024xi32, #tpu.memory_space<vmem>>, vector<16xi32>,
    %get3A_308 = arith.constant 880 : index
    %get3A_309 = tpu.vector_load %arg6[%get3A_308] {strides = array<i32>} : memref<1024xi32, #tpu.memory_space<vmem>>, vector<16xi32>,
    %gather3A_310 = tpu.vector_load_idx %arg5[%get3A_295] : memref<1000xf32, #tpu.memory_space<vmem>>[vector<16xi32>], vector<16xf32>,
    %gather3A_311 = tpu.vector_load_idx %arg5[%get3A_297] : memref<1000xf32, #tpu.memory_space<vmem>>[vector<16xi32>], vector<16xf32>,
    %gather3A_312 = tpu.vector_load_idx %arg5[%get3A_299] : memref<1000xf32, #tpu.memory_space<vmem>>[vector<16xi32>], vector<16xf32>,
    %gather3A_313 = tpu.vector_load_idx %arg5[%get3A_301] : memref<1000xf32, #tpu.memory_space<vmem>>[vector<16xi32>], vector<16xf32>,
    %gather3A_314 = tpu.vector_load_idx %arg5[%get3A_303] : memref<1000xf32, #tpu.memory_space<vmem>>[vector<16xi32>], vector<16xf32>,
    %gather3A_315 = tpu.vector_load_idx %arg5[%get3A_305] : memref<1000xf32, #tpu.memory_space<vmem>>[vector<16xi32>], vector<16xf32>,
    %gather3A_316 = tpu.vector_load_idx %arg5[%get3A_307] : memref<1000xf32, #tpu.memory_space<vmem>>[vector<16xi32>], vector<16xf32>,
    %gather3A_317 = tpu.vector_load_idx %arg5[%get3A_309] : memref<1000xf32, #tpu.memory_space<vmem>>[vector<16xi32>], vector<16xf32>,
    %max3A_318 = arith.maximumf %gather3A_310, %broadcast_in_dim3A_3 : vector<16xf32>
    %swap3A_319 = arith.constant 768 : index
    %swap3A_320 = tpu.vector_load %arg7[%swap3A_319] {strides = array<i32>} : memref<1024xf32, #tpu.memory_space<vmem>>, vector<16xf32>,
    tpu.vector_store %arg7[%swap3A_319], %max3A_318 {strides = array<i32>} : memref<1024xf32, #tpu.memory_space<vmem>>, vector<16xf32>,
    %max3A_321 = arith.maximumf %gather3A_311, %broadcast_in_dim3A_3 : vector<16xf32>
    %swap3A_322 = arith.constant 784 : index
    %swap3A_323 = tpu.vector_load %arg7[%swap3A_322] {strides = array<i32>} : memref<1024xf32, #tpu.memory_space<vmem>>, vector<16xf32>,
    tpu.vector_store %arg7[%swap3A_322], %max3A_321 {strides = array<i32>} : memref<1024xf32, #tpu.memory_space<vmem>>, vector<16xf32>,
    %max3A_324 = arith.maximumf %gather3A_312, %broadcast_in_dim3A_3 : vector<16xf32>
    %swap3A_325 = arith.constant 800 : index
    %swap3A_326 = tpu.vector_load %arg7[%swap3A_325] {strides = array<i32>} : memref<1024xf32, #tpu.memory_space<vmem>>, vector<16xf32>,
    tpu.vector_store %arg7[%swap3A_325], %max3A_324 {strides = array<i32>} : memref<1024xf32, #tpu.memory_space<vmem>>, vector<16xf32>,
    %max3A_327 = arith.maximumf %gather3A_313, %broadcast_in_dim3A_3 : vector<16xf32>
    %swap3A_328 = arith.constant 816 : index
    %swap3A_329 = tpu.vector_load %arg7[%swap3A_328] {strides = array<i32>} : memref<1024xf32, #tpu.memory_space<vmem>>, vector<16xf32>,
    tpu.vector_store %arg7[%swap3A_328], %max3A_327 {strides = array<i32>} : memref<1024xf32, #tpu.memory_space<vmem>>, vector<16xf32>,
    %max3A_330 = arith.maximumf %gather3A_314, %broadcast_in_dim3A_3 : vector<16xf32>
    %swap3A_331 = arith.constant 832 : index
    %swap3A_332 = tpu.vector_load %arg7[%swap3A_331] {strides = array<i32>} : memref<1024xf32, #tpu.memory_space<vmem>>, vector<16xf32>,
    tpu.vector_store %arg7[%swap3A_331], %max3A_330 {strides = array<i32>} : memref<1024xf32, #tpu.memory_space<vmem>>, vector<16xf32>,
    %max3A_333 = arith.maximumf %gather3A_315, %broadcast_in_dim3A_3 : vector<16xf32>
    %swap3A_334 = arith.constant 848 : index
    %swap3A_335 = tpu.vector_load %arg7[%swap3A_334] {strides = array<i32>} : memref<1024xf32, #tpu.memory_space<vmem>>, vector<16xf32>,
    tpu.vector_store %arg7[%swap3A_334], %max3A_333 {strides = array<i32>} : memref<1024xf32, #tpu.memory_space<vmem>>, vector<16xf32>,
    %max3A_336 = arith.maximumf %gather3A_316, %broadcast_in_dim3A_3 : vector<16xf32>
    %swap3A_337 = arith.constant 864 : index
    %swap3A_338 = tpu.vector_load %arg7[%swap3A_337] {strides = array<i32>} : memref<1024xf32, #tpu.memory_space<vmem>>, vector<16xf32>,
    tpu.vector_store %arg7[%swap3A_337], %max3A_336 {strides = array<i32>} : memref<1024xf32, #tpu.memory_space<vmem>>, vector<16xf32>,
    %max3A_339 = arith.maximumf %gather3A_317, %broadcast_in_dim3A_3 : vector<16xf32>
    %swap3A_340 = arith.constant 880 : index
    %swap3A_341 = tpu.vector_load %arg7[%swap3A_340] {strides = array<i32>} : memref<1024xf32, #tpu.memory_space<vmem>>, vector<16xf32>,
    tpu.vector_store %arg7[%swap3A_340], %max3A_339 {strides = array<i32>} : memref<1024xf32, #tpu.memory_space<vmem>>, vector<16xf32>,
    %get3A_342 = arith.constant 896 : index
    %get3A_343 = tpu.vector_load %arg6[%get3A_342] {strides = array<i32>} : memref<1024xi32, #tpu.memory_space<vmem>>, vector<16xi32>,
    %get3A_344 = arith.constant 912 : index
    %get3A_345 = tpu.vector_load %arg6[%get3A_344] {strides = array<i32>} : memref<1024xi32, #tpu.memory_space<vmem>>, vector<16xi32>,
    %get3A_346 = arith.constant 928 : index
    %get3A_347 = tpu.vector_load %arg6[%get3A_346] {strides = array<i32>} : memref<1024xi32, #tpu.memory_space<vmem>>, vector<16xi32>,
    %get3A_348 = arith.constant 944 : index
    %get3A_349 = tpu.vector_load %arg6[%get3A_348] {strides = array<i32>} : memref<1024xi32, #tpu.memory_space<vmem>>, vector<16xi32>,
    %get3A_350 = arith.constant 960 : index
    %get3A_351 = tpu.vector_load %arg6[%get3A_350] {strides = array<i32>} : memref<1024xi32, #tpu.memory_space<vmem>>, vector<16xi32>,
    %get3A_352 = arith.constant 976 : index
    %get3A_353 = tpu.vector_load %arg6[%get3A_352] {strides = array<i32>} : memref<1024xi32, #tpu.memory_space<vmem>>, vector<16xi32>,
    %get3A_354 = arith.constant 992 : index
    %get3A_355 = tpu.vector_load %arg6[%get3A_354] {strides = array<i32>} : memref<1024xi32, #tpu.memory_space<vmem>>, vector<16xi32>,
    %get3A_356 = arith.constant 1008 : index
    %get3A_357 = tpu.vector_load %arg6[%get3A_356] {strides = array<i32>} : memref<1024xi32, #tpu.memory_space<vmem>>, vector<16xi32>,
    %gather3A_358 = tpu.vector_load_idx %arg5[%get3A_343] : memref<1000xf32, #tpu.memory_space<vmem>>[vector<16xi32>], vector<16xf32>,
    %gather3A_359 = tpu.vector_load_idx %arg5[%get3A_345] : memref<1000xf32, #tpu.memory_space<vmem>>[vector<16xi32>], vector<16xf32>,
    %gather3A_360 = tpu.vector_load_idx %arg5[%get3A_347] : memref<1000xf32, #tpu.memory_space<vmem>>[vector<16xi32>], vector<16xf32>,
    %gather3A_361 = tpu.vector_load_idx %arg5[%get3A_349] : memref<1000xf32, #tpu.memory_space<vmem>>[vector<16xi32>], vector<16xf32>,
    %gather3A_362 = tpu.vector_load_idx %arg5[%get3A_351] : memref<1000xf32, #tpu.memory_space<vmem>>[vector<16xi32>], vector<16xf32>,
    %gather3A_363 = tpu.vector_load_idx %arg5[%get3A_353] : memref<1000xf32, #tpu.memory_space<vmem>>[vector<16xi32>], vector<16xf32>,
    %gather3A_364 = tpu.vector_load_idx %arg5[%get3A_355] : memref<1000xf32, #tpu.memory_space<vmem>>[vector<16xi32>], vector<16xf32>,
    %gather3A_365 = tpu.vector_load_idx %arg5[%get3A_357] : memref<1000xf32, #tpu.memory_space<vmem>>[vector<16xi32>], vector<16xf32>,
    %max3A_366 = arith.maximumf %gather3A_358, %broadcast_in_dim3A_3 : vector<16xf32>
    %swap3A_367 = arith.constant 896 : index
    %swap3A_368 = tpu.vector_load %arg7[%swap3A_367] {strides = array<i32>} : memref<1024xf32, #tpu.memory_space<vmem>>, vector<16xf32>,
    tpu.vector_store %arg7[%swap3A_367], %max3A_366 {strides = array<i32>} : memref<1024xf32, #tpu.memory_space<vmem>>, vector<16xf32>,
    %max3A_369 = arith.maximumf %gather3A_359, %broadcast_in_dim3A_3 : vector<16xf32>
    %swap3A_370 = arith.constant 912 : index
    %swap3A_371 = tpu.vector_load %arg7[%swap3A_370] {strides = array<i32>} : memref<1024xf32, #tpu.memory_space<vmem>>, vector<16xf32>,
    tpu.vector_store %arg7[%swap3A_370], %max3A_369 {strides = array<i32>} : memref<1024xf32, #tpu.memory_space<vmem>>, vector<16xf32>,
    %max3A_372 = arith.maximumf %gather3A_360, %broadcast_in_dim3A_3 : vector<16xf32>
    %swap3A_373 = arith.constant 928 : index
    %swap3A_374 = tpu.vector_load %arg7[%swap3A_373] {strides = array<i32>} : memref<1024xf32, #tpu.memory_space<vmem>>, vector<16xf32>,
    tpu.vector_store %arg7[%swap3A_373], %max3A_372 {strides = array<i32>} : memref<1024xf32, #tpu.memory_space<vmem>>, vector<16xf32>,
    %max3A_375 = arith.maximumf %gather3A_361, %broadcast_in_dim3A_3 : vector<16xf32>
    %swap3A_376 = arith.constant 944 : index
    %swap3A_377 = tpu.vector_load %arg7[%swap3A_376] {strides = array<i32>} : memref<1024xf32, #tpu.memory_space<vmem>>, vector<16xf32>,
    tpu.vector_store %arg7[%swap3A_376], %max3A_375 {strides = array<i32>} : memref<1024xf32, #tpu.memory_space<vmem>>, vector<16xf32>,
    %max3A_378 = arith.maximumf %gather3A_362, %broadcast_in_dim3A_3 : vector<16xf32>
    %swap3A_379 = arith.constant 960 : index
    %swap3A_380 = tpu.vector_load %arg7[%swap3A_379] {strides = array<i32>} : memref<1024xf32, #tpu.memory_space<vmem>>, vector<16xf32>,
    tpu.vector_store %arg7[%swap3A_379], %max3A_378 {strides = array<i32>} : memref<1024xf32, #tpu.memory_space<vmem>>, vector<16xf32>,
    %max3A_381 = arith.maximumf %gather3A_363, %broadcast_in_dim3A_3 : vector<16xf32>
    %swap3A_382 = arith.constant 976 : index
    %swap3A_383 = tpu.vector_load %arg7[%swap3A_382] {strides = array<i32>} : memref<1024xf32, #tpu.memory_space<vmem>>, vector<16xf32>,
    tpu.vector_store %arg7[%swap3A_382], %max3A_381 {strides = array<i32>} : memref<1024xf32, #tpu.memory_space<vmem>>, vector<16xf32>,
    %max3A_384 = arith.maximumf %gather3A_364, %broadcast_in_dim3A_3 : vector<16xf32>
    %swap3A_385 = arith.constant 992 : index
    %swap3A_386 = tpu.vector_load %arg7[%swap3A_385] {strides = array<i32>} : memref<1024xf32, #tpu.memory_space<vmem>>, vector<16xf32>,
    tpu.vector_store %arg7[%swap3A_385], %max3A_384 {strides = array<i32>} : memref<1024xf32, #tpu.memory_space<vmem>>, vector<16xf32>,
    %max3A_387 = arith.maximumf %gather3A_365, %broadcast_in_dim3A_3 : vector<16xf32>
    %swap3A_388 = arith.constant 1008 : index
    %swap3A_389 = tpu.vector_load %arg7[%swap3A_388] {strides = array<i32>} : memref<1024xf32, #tpu.memory_space<vmem>>, vector<16xf32>,
    tpu.vector_store %arg7[%swap3A_388], %max3A_387 {strides = array<i32>} : memref<1024xf32, #tpu.memory_space<vmem>>, vector<16xf32>,
    %add3A = arith.constant 512 : i32
    %add3A_390 = arith.addi %mul3A_0, %add3A : i32
    %dma_start3A_391 = arith.constant 512 : i32
    %dma_start3A_392 = tpu.memref_slice %arg7[%dma_start3A_391] : memref<1024xf32, #tpu.memory_space<vmem>> -> memref<512xf32, #tpu.memory_space<vmem>>
    %dma_start3A_393 = tpu.memref_slice %arg4[%add3A_390] : memref<16384xf32, #tpu.memory_space<hbm>> -> memref<512xf32, #tpu.memory_space<hbm>>
    %dma_start3A_394 = tpu.memref_slice %arg4[%add3A_390] : memref<16384xf32, #tpu.memory_space<hbm>> -> memref<512xf32, #tpu.memory_space<hbm>>
    %dma_start3A_395 = arith.constant 512 : i32
    %dma_start3A_396 = tpu.memref_slice %arg7[%dma_start3A_395] : memref<1024xf32, #tpu.memory_space<vmem>> -> memref<512xf32, #tpu.memory_space<vmem>>
    tpu.enqueue_dma source(%dma_start3A_396 : memref<512xf32, #tpu.memory_space<vmem>>) target(%dma_start3A_394 : memref<512xf32, #tpu.memory_space<hbm>>) target_semaphore(%arg10 : memref<!tpu.dma_semaphore, #tpu.memory_space<semaphore_mem>>)
    %dma_wait3A_397 = arith.constant 0 : i32
    %dma_wait3A_398 = tpu.memref_slice %arg7[%dma_wait3A_397] : memref<1024xf32, #tpu.memory_space<vmem>> -> memref<512xf32, #tpu.memory_space<vmem>>
    %dma_wait3A_399 = tpu.memref_slice %arg4[%mul3A_0] : memref<16384xf32, #tpu.memory_space<hbm>> -> memref<512xf32, #tpu.memory_space<hbm>>
    %dma_wait3A_400 = tpu.memref_slice %arg4[%mul3A_0] : memref<16384xf32, #tpu.memory_space<hbm>> -> memref<512xf32, #tpu.memory_space<hbm>>
    %dma_wait3A_401 = arith.constant 0 : i32
    %dma_wait3A_402 = tpu.memref_slice %arg7[%dma_wait3A_401] : memref<1024xf32, #tpu.memory_space<vmem>> -> memref<512xf32, #tpu.memory_space<vmem>>
    tpu.wait_dma2 semaphore(%arg10 : memref<!tpu.dma_semaphore, #tpu.memory_space<semaphore_mem>>) src(%dma_wait3A_402 : memref<512xf32, #tpu.memory_space<vmem>>) dst(%dma_wait3A_400 : memref<512xf32, #tpu.memory_space<hbm>>)
    %dma_wait3A_403 = arith.constant 512 : i32
    %dma_wait3A_404 = tpu.memref_slice %arg7[%dma_wait3A_403] : memref<1024xf32, #tpu.memory_space<vmem>> -> memref<512xf32, #tpu.memory_space<vmem>>
    %dma_wait3A_405 = tpu.memref_slice %arg4[%add3A_390] : memref<16384xf32, #tpu.memory_space<hbm>> -> memref<512xf32, #tpu.memory_space<hbm>>
    %dma_wait3A_406 = tpu.memref_slice %arg4[%add3A_390] : memref<16384xf32, #tpu.memory_space<hbm>> -> memref<512xf32, #tpu.memory_space<hbm>>
    %dma_wait3A_407 = arith.constant 512 : i32
    %dma_wait3A_408 = tpu.memref_slice %arg7[%dma_wait3A_407] : memref<1024xf32, #tpu.memory_space<vmem>> -> memref<512xf32, #tpu.memory_space<vmem>>
    tpu.wait_dma2 semaphore(%arg10 : memref<!tpu.dma_semaphore, #tpu.memory_space<semaphore_mem>>) src(%dma_wait3A_408 : memref<512xf32, #tpu.memory_space<vmem>>) dst(%dma_wait3A_406 : memref<512xf32, #tpu.memory_space<hbm>>)
    return
  }
}

</mosaic_0001>

<sc_bundles>
// kernel: kernel.3.cloned.1.call-start
scs
__scs_entry_jumppad:
0x0: {  	(pc) =	sbr.rel $0x88, $3  }
0x1: {  	(tag) =	ssettag $0x0;
	lr =	simm.s32 $0x1  }
0x2: {  	[smem:$0x3F9F] =	sst lr;
	_ =	strace $0xD0000000  }
0x3: {  	_ = 	snop  }
0x4: {  	_ = 	snop  }
0x5: {  	_ = 	snop  }
0x6: {  	_ = 	snop  }
0x7: {  	_ = 	snop  }
__scs_overlays_trampoline_lowered:
0x8: {  	[smem:$0x3FAE] =	sst s0  }
0x9: {  	[smem:$0x3FAF] =	sst s1  }
0xa: {  	[smem:$0x3FB0] =	sst s2  }
0xb: {  	[smem:$0x3FB1] =	sst s3  }
0xc: {  	[smem:$0x3FB2] =	sst s4  }
0xd: {  	[smem:$0x3FB3] =	sst s5  }
0xe: {  	[smem:$0x3FB4] =	sst s6  }
0xf: {  	[smem:$0x3FB5] =	sst s7  }
0x10: {  	[smem:$0x3FB6] =	sst s8  }
0x11: {  	[smem:$0x3FB7] =	sst s9;
	s0 =	simm.s32 @!p0 $0x0  }
0x12: {  	s1 =	sld [smem:$0x3F9D];
	s0 =	simm.s32 @p0 $0x1  }
0x13: {  	[smem:$0x3FB8] =	sst s0;
	s0 =	simm.s32 @!p1 $0x0  }
0x14: {  	s2 =	sld [smem:$0x3F9C];
	s0 =	simm.s32 @p1 $0x1  }
0x15: {  	[smem:$0x3FB9] =	sst s0;
	s0 =	simm.s32 @!p2 $0x0  }
0x16: {  	s3 =	sld [smem:$0x3FDB];
	s0 =	simm.s32 @p2 $0x1  }
0x17: {  	s4 =	simm.s32 $0x1BF5;
	[smem:$0x3FBB] =	sst s0  }
0x18: {  	s0 =	sld [smem:$0x3F9E];
	_ =	swait.ge [sflag:s4], $0x0  }
0x19: {  	s7 =	sld [smem:$0x3F9F]  }
0x1a: {  	s8 =	sadd.s32 $0xFFFFE003, lr  }
0x1b: {  	s9 =	sadd.s32 $0xFFFFFEF7, lr;
	s5 =	simm.s32 $0xFFFFFFFF;
	p2 =	slt.u32 s8, $0xFFFFF086  }
0x1c: {  	p1 =	slt.u32 s9, $0xF7A;
	s5 =	simm.s32 @!p2 $0x0  }
0x1d: {  	s5 =	simm.s32 @p1 $0x1;
	p0 =	seq.s32 s7, s2  }
0x1e: {  	s7 =	smul.u32 @!p0 $0xF7A, s2;
	p2 =	seq.s32 @!p0 s5, $0x0  }
0x1f: {  	s9 =	smul.u32 $0xF7A, s1;
	s8 =	simm.s32 @!p0 $0x1BF5;
	p2 =	por !p2, p0  }
0x20: {  	[sflag:s8] =	ssyncset.s32 @!p0 $0xFFFFF086;
	s6 =	sadd.s32 @!p0 s3, s7;
	s7 =	simm.s32 @!p0 $0x108  }
0x21: {  	s3 =	sadd.s32 s3, s9;
	s6 =	sadd.s32 @!p0 $0x88, s6;
	s7 =	simm.s32 @p2 $0x1082  }
0x22: {  	[simem:s7], [sflag:s8] =	dma.local @!p0 [hbm:s6], $0xF7A  }
0x23: {  	s9 =	sor.u32 $0xD0000000, s2;
	s6 =	simm.s32 $0x108;
	_ =	swait.ge @!p0 [sflag:s8], $0x0  }
0x24: {  	s3 =	sadd.s32 $0x88, s3;
	s6 =	simm.s32 @!p1 $0x1082;
	[sflag:s4] =	ssyncset.s32 $0xFFFFF086  }
0x25: {  	[simem:s6], [sflag:s4] =	dma.local [hbm:s3], $0xF7A  }
0x26: {  	[smem:$0x3F9F] =	sst s1;
	(tag) =	ssettag s2;
	_ =	strace s9  }
0x27: {  	s1 =	sld [smem:$0x3FAF]  }
0x28: {  	s2 =	sld [smem:$0x3FB0]  }
0x29: {  	s4 =	sld [smem:$0x3FB2]  }
0x2a: {  	p0 =	seq.s32 s5, $0x0;
	s5 =	sld [smem:$0x3FB3]  }
0x2b: {  	s6 =	sld [smem:$0x3FB4]  }
0x2c: {  	s7 =	sld [smem:$0x3FB5]  }
0x2d: {  	s3 =	simm.s32 $0x108;
	s8 =	sld [smem:$0x3FB6]  }
0x2e: {  	s3 =	simm.s32 @!p0 $0x1082;
	s9 =	sld [smem:$0x3FB7]  }
0x2f: {  	lr =	sadd.s32 s0, s3;
	s0 =	sld [smem:$0x3FAE]  }
0x30: {  	s3 =	sld [smem:$0x3FB1]  }
0x31: {  	[smem:$0x3FBA] =	sst s10  }
0x32: {  	s10 =	sld [smem:$0x3FB8];
	_ =	sdelay $0x3  }
0x33: {  	p0 =	seq.s32 s10, $0x1;
	s10 =	sld [smem:$0x3FBA];
	_ =	sdelay $0x3  }
0x34: {  	[smem:$0x3FBA] =	sst s10  }
0x35: {  	s10 =	sld [smem:$0x3FB9];
	_ =	sdelay $0x3  }
0x36: {  	p1 =	seq.s32 s10, $0x1;
	s10 =	sld [smem:$0x3FBA];
	_ =	sdelay $0x3  }
0x37: {  	[smem:$0x3FBA] =	sst s10  }
0x38: {  	s10 =	sld [smem:$0x3FBB]  }
0x39: {  	_ = 	snop;
	(pc) =	sbr.ind lr, $3  }
0x3a: {  	_ = 	snop  }
0x3b: {  	_ = 	snop  }
0x3c: {  	p2 =	seq.s32 s10, $0x1;
	s10 =	sld [smem:$0x3FBA]  }
0x3d: {  	_ =	shalt  }
0x3e: {  	_ =	shalt  }
0x3f: {  	_ =	shalt  }
0x40: {  	_ =	shalt  }
0x41: {  	_ =	shalt  }
0x42: {  	_ =	shalt  }
0x43: {  	_ =	shalt  }
0x44: {  	_ =	shalt  }
0x45: {  	_ =	shalt  }
0x46: {  	_ =	shalt  }
0x47: {  	_ =	shalt  }
0x48: {  	_ =	shalt  }
0x49: {  	_ =	shalt  }
0x4a: {  	_ =	shalt  }
0x4b: {  	_ =	shalt  }
0x4c: {  	_ =	shalt  }
0x4d: {  	_ =	shalt  }
0x4e: {  	_ =	shalt  }
0x4f: {  	_ =	shalt  }
0x50: {  	_ =	shalt  }
0x51: {  	_ =	shalt  }
0x52: {  	_ =	shalt  }
0x53: {  	_ =	shalt  }
0x54: {  	_ =	shalt  }
0x55: {  	_ =	shalt  }
0x56: {  	_ =	shalt  }
0x57: {  	_ =	shalt  }
0x58: {  	_ =	shalt  }
0x59: {  	_ =	shalt  }
0x5a: {  	_ =	shalt  }
0x5b: {  	_ =	shalt  }
0x5c: {  	_ =	shalt  }
0x5d: {  	_ =	shalt  }
0x5e: {  	_ =	shalt  }
0x5f: {  	_ =	shalt  }
0x60: {  	_ =	shalt  }
0x61: {  	_ =	shalt  }
0x62: {  	_ =	shalt  }
0x63: {  	_ =	shalt  }
0x64: {  	_ =	shalt  }
0x65: {  	_ =	shalt  }
0x66: {  	_ =	shalt  }
0x67: {  	_ =	shalt  }
0x68: {  	_ =	shalt  }
0x69: {  	_ =	shalt  }
0x6a: {  	_ =	shalt  }
0x6b: {  	_ =	shalt  }
0x6c: {  	_ =	shalt  }
0x6d: {  	_ =	shalt  }
0x6e: {  	_ =	shalt  }
0x6f: {  	_ =	shalt  }
0x70: {  	_ =	shalt  }
0x71: {  	_ =	shalt  }
0x72: {  	_ =	shalt  }
0x73: {  	_ =	shalt  }
0x74: {  	_ =	shalt  }
0x75: {  	_ =	shalt  }
0x76: {  	_ =	shalt  }
0x77: {  	_ =	shalt  }
0x78: {  	_ =	shalt  }
0x79: {  	_ =	shalt  }
0x7a: {  	_ =	shalt  }
0x7b: {  	_ =	shalt  }
0x7c: {  	_ =	shalt  }
0x7d: {  	_ =	shalt  }
0x7e: {  	_ =	shalt  }
0x7f: {  	_ =	shalt  }
0x80: {  	_ =	shalt  }
0x81: {  	_ =	shalt  }
0x82: {  	_ =	shalt  }
0x83: {  	_ =	shalt  }
0x84: {  	_ =	shalt  }
0x85: {  	_ =	shalt  }
0x86: {  	_ =	shalt  }
0x87: {  	_ =	shalt  }
.Lfunc_end0:
.L_simem_size_0:
called_computation_lowered:
.L_overlay_start_0:
0x88: {  	s0 =	sld [smem:$0x3FD9]  }
0x89: {  	s1 =	sld [smem:$0x3FFE];
	_ =	sdelay $0x3  }
0x8a: {  	s0 =	sadd.s32 s1, s0  }
0x8b: {  	[smem:$0x3FC6] =	sst s0  }
0x8c: {  	_ = 	snop  }
0x8d: {  	s0 =	sld [smem:$0x3FC9]  }
0x8e: {  	s17 =	sld [smem:$0x3FC8]  }
0x8f: {  	s2 =	sld [smem:$0x3FD0];
	(tm) =	ssettm $0x1  }
0x90: {  	s3 =	sld [smem:$0x3FFB];
	_ =	sdelay $0x3  }
0x91: {  	_ =	strace s3  }
0x92: {  	s3 =	sld [smem:$0x3FFC];
	_ =	sdelay $0x3  }
0x93: {  	_ =	strace s3  }
0x94: {  	s3 =	sld [smem:$0x3FFD];
	_ =	sdelay $0x3  }
0x95: {  	_ =	strace s3  }
0x96: {  	_ =	strace $0x8FFFFFFF  }
0x97: {  	s18 =	sld [smem:$0x3FDB];
	_ =	sdelay $0x1  }
0x98: {  	s4 =	simm.s32 $_scs_section_size  }
0x99: {  	s5 =	simm.s32 $_size__tile_overlayer_lowered;
	s6 =	simm.s32 $_tile_overlayer_lowered  }
0x9a: {  	s21 =	simm.s32 $0x1BFF;
	s20 =	sshll.u32 s6, $0x1;
	s3 =	sadd.s32 s4, s18  }
0x9b: {  	s7 =	simm.s32 $0x0;
	s19 =	sshll.u32 s5, $0x1;
	s5 =	sadd.s32 s20, s3  }
0x9c: {  	[timem:s7], [sflag:s21] =	dma.local [hbm:s5], s19  }
0x9d: {  	_ =	swait.ge [sflag:s21], s19  }
0x9e: {  	s4 =	ssub.s32 $0x0, s19;
	[sflag:s21] =	ssyncset.done $0x0  }
0x9f: {  	[sflag:s21] =	ssyncadd.s32 s4;
	_ =	sdelay $0x1  }
0xa0: {  	s22 =	simm.s32 $0x1B8B  }
0xa1: {  	_ =	swait.ge [sflag:s22], $0x1  }
0xa2: {  	[sflag:s22] =	ssyncset.done $0x0  }
0xa3: {  	s23 =	simm.s32 $0x1B8E;
	[sflag:s22] =	ssyncadd.s32 $0xFFFFFFFF  }
0xa4: {  	s24 =	simm.s32 $execute0_lowered;
	[smem:$0x3FD2] =	sst s23  }
0xa5: {  	s4 =	sshll.u32 s24, $0x1;
	_ =	strace $0x80000046;
	[dreg:$0x1] =	wrdreg $0xFFFFFFFF  }
0xa6: {  	s25 =	simm.s32 $_size_execute0_lowered;
	s3 =	sadd.s32 s3, s4;
	[dreg:$0x0] =	wrdreg $0x0  }
0xa7: {  	s4 =	sshll.u32 s25, $0x1;
	[dreg:$0x2] =	wrdreg s3  }
0xa8: {  	[dreg:$0x3] =	wrdreg s4  }
0xa9: {  	[dreg:$0x4] =	wrdreg $0xC0  }
0xaa: {  	_ =	task [dreg:s7], $0x5FFFF  }
0xab: {  	[dreg:$0x1] =	wrdreg $0xFFFFFFFF  }
0xac: {  	[dreg:$0x0] =	wrdreg $0x60  }
0xad: {  	[dreg:$0x2] =	wrdreg s0  }
0xae: {  	[dreg:$0x3] =	wrdreg s17  }
0xaf: {  	[dreg:$0x4] =	wrdreg s2  }
0xb0: {  	[dreg:$0x5] =	wrdreg $0x9  }
0xb1: {  	_ =	task.clear_ibuf [dreg:s7], $0x6FFFF;
	_ =	strace $0x90000046  }
0xb2: {  	s26 =	simm.s32 $0x9;
	_ =	strace $0x80000048  }
0xb3: {  	_ =	swait.ge [sflag:s26], $0x1  }
0xb4: {  	[sflag:s26] =	ssyncadd.s32 $0xFFFFFFFF  }
0xb5: {  	_ =	strace $0x90000048  }
0xb6: {  	_ =	sfence  }
0xb7: {  	s28 =	sld [smem:$0x0];
	_ =	sdelay $0x1  }
0xb8: {  	s29 =	srdreg.scid  }
0xb9: {  	s30 =	sshll.u32 s29, $0xD;
	s31 =	sshrl.u32 s29, $0x2  }
0xba: {  	s1 =	sand.u32 $0x1, s29;
	s2 =	sand.u32 $0x4000, s30;
	s0 =	sadd.s32 s31, s28  }
0xbb: {  	s1 =	sor.u32 s2, s1;
	s0 =	sshll.u32 s0, $0x11  }
0xbc: {  	s0 =	sor.u32 s0, s1  }
0xbd: {  	s0 =	sadd.s32 $0x8F2B, s0  }
0xbe: {  	[sflag:s0] =	ssyncadd.remote.s32 $0x1  }
0xbf: {  	_ =	sfence.sel $0xFFFF  }
0xc0: {  	[dreg:$0x0] =	wrdreg $0xFFFFFFFF;
	(pc) =	sbr.abs _section_cstart, $3  }
0xc1: {  	[dreg:$0x1] =	wrdreg $0xFFFFFFFF  }
0xc2: {  	_ =	task.clear_ibuf [dreg:s7], $0x2FFFF;
	_ =	strace $0x9FFFFFFF  }
0xc3: {  	(tm) =	ssettm $0x7FFFFFFF  }
tec
execute0_lowered:
.L_overlay_start_1:
0x0: {  	(tag) =	ssettag $0x1  }
0x1: {  	s5 =	rddreg [dreg:$0x0]  }
0x2: {  	s6 =	rddreg [dreg:$0x1]  }
0x3: {  	s3 =	rddreg [dreg:$0x2];
	s2 =	simm.s32 $0x0  }
0x4: {  	s1 =	stileid.u32;
	[smem:$0x7FF] =	sst s2  }
0x5: {  	s0 =	rddreg [dreg:$0x3];
	s4 =	sshll.u32 s1, $0x7;
	_ =	strace $0x80000047  }
0x6: {  	[tilespmem:s2], [sflag:$0x1] =	stream.linear.gather [hbm4b:s6+s2], $0x400, $0x38;
	[tilespmem:$0xC00] =	vst v63  }
0x7: {  	s25 =	simm.s32 $0x400;
	s26 =	simm.s32 $0x1;
	s5 =	sadd.s32 s5, s4  }
0x8: {  	[tilespmem:s25], [sflag:$0x2] =	stream.linear.gather [hbm4b:s5+s2], $0x400, $0x38;
	[tilespmem:$0xC00] =	vst v63  }
0x9: {  	_ =	swait.ge [sflag:s26], $0x400  }
0xa: {  	[sflag:s26] =	ssyncset.done $0x0  }
0xb: {  	s28 =	simm.s32 $0x2;
	[sflag:s26] =	ssyncadd.s32 $0xFFFFFC00  }
0xc: {  	_ =	swait.ge [sflag:s28], $0x400  }
0xd: {  	[sflag:s28] =	ssyncset.done $0x0  }
0xe: {  	[sflag:s28] =	ssyncadd.s32 $0xFFFFFC00  }
0xf: {  	v0 =	vld [tilespmem:$0x400]  }
0x10: {  	v1 =	vld [tilespmem:$0x410]  }
0x11: {  	v2 =	vld [tilespmem:$0x420]  }
0x12: {  	v3 =	vld [tilespmem:$0x430]  }
0x13: {  	v4 =	vld [tilespmem:$0x440]  }
0x14: {  	v5 =	vld [tilespmem:$0x450]  }
0x15: {  	v6 =	vld [tilespmem:$0x460]  }
0x16: {  	v7 =	vld [tilespmem:$0x470]  }
0x17: {  	v21 =	vld [tilespmem:$0x480]  }
0x18: {  	v23 =	vld [tilespmem:$0x490]  }
0x19: {  	v25 =	vld [tilespmem:$0x4A0]  }
0x1a: {  	v0 =	vld.idx.msk [tilespmem:v0+s2+$0x0], $0xffff  }
0x1b: {  	v1 =	vld.idx.msk [tilespmem:v1+s2+$0x0], $0xffff  }
0x1c: {  	v2 =	vld.idx.msk [tilespmem:v2+s2+$0x0], $0xffff  }
0x1d: {  	v3 =	vld.idx.msk [tilespmem:v3+s2+$0x0], $0xffff  }
0x1e: {  	v4 =	vld.idx.msk [tilespmem:v4+s2+$0x0], $0xffff  }
0x1f: {  	v5 =	vld.idx.msk [tilespmem:v5+s2+$0x0], $0xffff  }
0x20: {  	v6 =	vld.idx.msk [tilespmem:v6+s2+$0x0], $0xffff;
	v0 =	vmax.f32 v0, $0.0e+00  }
0x21: {  	v7 =	vld.idx.msk [tilespmem:v7+s2+$0x0], $0xffff;
	v20 =	vmax.f32 v1, $0.0e+00;
	[tilespmem:$0x800] =	vst v0  }
0x22: {  	v27 =	vld [tilespmem:$0x4B0];
	v22 =	vmax.f32 v2, $0.0e+00;
	[tilespmem:$0x810] =	vst v20  }
0x23: {  	v29 =	vld [tilespmem:$0x4C0];
	v24 =	vmax.f32 v3, $0.0e+00;
	[tilespmem:$0x820] =	vst v22  }
0x24: {  	v31 =	vld [tilespmem:$0x4D0];
	v26 =	vmax.f32 v4, $0.0e+00;
	[tilespmem:$0x830] =	vst v24  }
0x25: {  	v33 =	vld [tilespmem:$0x4E0];
	v28 =	vmax.f32 v5, $0.0e+00;
	[tilespmem:$0x840] =	vst v26  }
0x26: {  	v34 =	vld [tilespmem:$0x4F0];
	v30 =	vmax.f32 v6, $0.0e+00;
	[tilespmem:$0x850] =	vst v28  }
0x27: {  	v36 =	vld [tilespmem:$0x500];
	v32 =	vmax.f32 v7, $0.0e+00;
	[tilespmem:$0x860] =	vst v30  }
0x28: {  	v38 =	vld [tilespmem:$0x510];
	[tilespmem:$0x870] =	vst v32  }
0x29: {  	v1 =	vld.idx.msk [tilespmem:v21+s2+$0x0], $0xffff  }
0x2a: {  	v2 =	vld.idx.msk [tilespmem:v23+s2+$0x0], $0xffff  }
0x2b: {  	v3 =	vld.idx.msk [tilespmem:v25+s2+$0x0], $0xffff  }
0x2c: {  	v4 =	vld.idx.msk [tilespmem:v27+s2+$0x0], $0xffff  }
0x2d: {  	v5 =	vld.idx.msk [tilespmem:v29+s2+$0x0], $0xffff  }
0x2e: {  	v6 =	vld.idx.msk [tilespmem:v31+s2+$0x0], $0xffff  }
0x2f: {  	v7 =	vld.idx.msk [tilespmem:v33+s2+$0x0], $0xffff;
	v1 =	vmax.f32 v1, $0.0e+00  }
0x30: {  	v0 =	vld.idx.msk [tilespmem:v34+s2+$0x0], $0xffff;
	v35 =	vmax.f32 v2, $0.0e+00;
	[tilespmem:$0x880] =	vst v1  }
0x31: {  	v40 =	vld [tilespmem:$0x520];
	v37 =	vmax.f32 v3, $0.0e+00;
	[tilespmem:$0x890] =	vst v35  }
0x32: {  	v42 =	vld [tilespmem:$0x530];
	v39 =	vmax.f32 v4, $0.0e+00;
	[tilespmem:$0x8A0] =	vst v37  }
0x33: {  	v44 =	vld [tilespmem:$0x540];
	v41 =	vmax.f32 v5, $0.0e+00;
	[tilespmem:$0x8B0] =	vst v39  }
0x34: {  	v46 =	vld [tilespmem:$0x550];
	v43 =	vmax.f32 v6, $0.0e+00;
	[tilespmem:$0x8C0] =	vst v41  }
0x35: {  	v47 =	vld [tilespmem:$0x560];
	v45 =	vmax.f32 v7, $0.0e+00;
	[tilespmem:$0x8D0] =	vst v43  }
0x36: {  	v48 =	vld [tilespmem:$0x570];
	v0 =	vmax.f32 v0, $0.0e+00;
	[tilespmem:$0x8E0] =	vst v45  }
0x37: {  	v50 =	vld [tilespmem:$0x580];
	[tilespmem:$0x8F0] =	vst v0  }
0x38: {  	v2 =	vld.idx.msk [tilespmem:v36+s2+$0x0], $0xffff  }
0x39: {  	v3 =	vld.idx.msk [tilespmem:v38+s2+$0x0], $0xffff  }
0x3a: {  	v4 =	vld.idx.msk [tilespmem:v40+s2+$0x0], $0xffff  }
0x3b: {  	v5 =	vld.idx.msk [tilespmem:v42+s2+$0x0], $0xffff  }
0x3c: {  	v6 =	vld.idx.msk [tilespmem:v44+s2+$0x0], $0xffff  }
0x3d: {  	v7 =	vld.idx.msk [tilespmem:v46+s2+$0x0], $0xffff  }
0x3e: {  	v1 =	vld.idx.msk [tilespmem:v47+s2+$0x0], $0xffff;
	v2 =	vmax.f32 v2, $0.0e+00  }
0x3f: {  	v0 =	vld.idx.msk [tilespmem:v48+s2+$0x0], $0xffff;
	v49 =	vmax.f32 v3, $0.0e+00;
	[tilespmem:$0x900] =	vst v2  }
0x40: {  	v52 =	vld [tilespmem:$0x590];
	v51 =	vmax.f32 v4, $0.0e+00;
	[tilespmem:$0x910] =	vst v49  }
0x41: {  	v54 =	vld [tilespmem:$0x5A0];
	v53 =	vmax.f32 v5, $0.0e+00;
	[tilespmem:$0x920] =	vst v51  }
0x42: {  	v56 =	vld [tilespmem:$0x5B0];
	v55 =	vmax.f32 v6, $0.0e+00;
	[tilespmem:$0x930] =	vst v53  }
0x43: {  	v58 =	vld [tilespmem:$0x5C0];
	v57 =	vmax.f32 v7, $0.0e+00;
	[tilespmem:$0x940] =	vst v55  }
0x44: {  	v59 =	vld [tilespmem:$0x5D0];
	v1 =	vmax.f32 v1, $0.0e+00;
	[tilespmem:$0x950] =	vst v57  }
0x45: {  	v60 =	vld [tilespmem:$0x5E0];
	v0 =	vmax.f32 v0, $0.0e+00;
	[tilespmem:$0x960] =	vst v1  }
0x46: {  	v61 =	vld [tilespmem:$0x5F0];
	[tilespmem:$0x970] =	vst v0  }
0x47: {  	v3 =	vld.idx.msk [tilespmem:v50+s2+$0x0], $0xffff  }
0x48: {  	v4 =	vld.idx.msk [tilespmem:v52+s2+$0x0], $0xffff  }
0x49: {  	v5 =	vld.idx.msk [tilespmem:v54+s2+$0x0], $0xffff  }
0x4a: {  	v6 =	vld.idx.msk [tilespmem:v56+s2+$0x0], $0xffff  }
0x4b: {  	v7 =	vld.idx.msk [tilespmem:v58+s2+$0x0], $0xffff  }
0x4c: {  	v2 =	vld.idx.msk [tilespmem:v59+s2+$0x0], $0xffff  }
0x4d: {  	v1 =	vld.idx.msk [tilespmem:v60+s2+$0x0], $0xffff;
	v3 =	vmax.f32 v3, $0.0e+00  }
0x4e: {  	v0 =	vld.idx.msk [tilespmem:v61+s2+$0x0], $0xffff;
	v62 =	vmax.f32 v4, $0.0e+00;
	[tilespmem:$0x980] =	vst v3  }
0x4f: {  	v63 =	vmax.f32 v5, $0.0e+00;
	[tilespmem:$0x990] =	vst v62  }
0x50: {  	v8 =	vmax.f32 v6, $0.0e+00;
	[tilespmem:$0x9A0] =	vst v63  }
0x51: {  	v9 =	vmax.f32 v7, $0.0e+00;
	[tilespmem:$0x9B0] =	vst v8  }
0x52: {  	v2 =	vmax.f32 v2, $0.0e+00;
	[tilespmem:$0x9C0] =	vst v9  }
0x53: {  	v1 =	vmax.f32 v1, $0.0e+00;
	[tilespmem:$0x9D0] =	vst v2  }
0x54: {  	v0 =	vmax.f32 v0, $0.0e+00;
	[tilespmem:$0x9E0] =	vst v1  }
0x55: {  	s29 =	simm.s32 $0x800;
	s3 =	sadd.s32 s3, s4;
	[tilespmem:$0x9F0] =	vst v0  }
0x56: {  	[hbm4b:s3+s2] =	stream.linear.scatter [tilespmem:s29], [sflag:$0x3], $0x200, $0x38;
	[tilespmem:$0xC00] =	vst v63  }
0x57: {  	v10 =	vld [tilespmem:$0x600]  }
0x58: {  	v11 =	vld [tilespmem:$0x610]  }
0x59: {  	v12 =	vld [tilespmem:$0x620]  }
0x5a: {  	v13 =	vld [tilespmem:$0x630]  }
0x5b: {  	v14 =	vld [tilespmem:$0x640]  }
0x5c: {  	v15 =	vld [tilespmem:$0x650]  }
0x5d: {  	v16 =	vld [tilespmem:$0x660]  }
0x5e: {  	v17 =	vld [tilespmem:$0x670]  }
0x5f: {  	v19 =	vld [tilespmem:$0x680]  }
0x60: {  	v21 =	vld [tilespmem:$0x690]  }
0x61: {  	v23 =	vld [tilespmem:$0x6A0]  }
0x62: {  	v0 =	vld.idx.msk [tilespmem:v10+s2+$0x0], $0xffff  }
0x63: {  	v1 =	vld.idx.msk [tilespmem:v11+s2+$0x0], $0xffff  }
0x64: {  	v2 =	vld.idx.msk [tilespmem:v12+s2+$0x0], $0xffff  }
0x65: {  	v3 =	vld.idx.msk [tilespmem:v13+s2+$0x0], $0xffff  }
0x66: {  	v4 =	vld.idx.msk [tilespmem:v14+s2+$0x0], $0xffff  }
0x67: {  	v5 =	vld.idx.msk [tilespmem:v15+s2+$0x0], $0xffff  }
0x68: {  	v6 =	vld.idx.msk [tilespmem:v16+s2+$0x0], $0xffff;
	v0 =	vmax.f32 v0, $0.0e+00  }
0x69: {  	v7 =	vld.idx.msk [tilespmem:v17+s2+$0x0], $0xffff;
	v18 =	vmax.f32 v1, $0.0e+00;
	[tilespmem:$0xA00] =	vst v0  }
0x6a: {  	v25 =	vld [tilespmem:$0x6B0];
	v20 =	vmax.f32 v2, $0.0e+00;
	[tilespmem:$0xA10] =	vst v18  }
0x6b: {  	v27 =	vld [tilespmem:$0x6C0];
	v22 =	vmax.f32 v3, $0.0e+00;
	[tilespmem:$0xA20] =	vst v20  }
0x6c: {  	v29 =	vld [tilespmem:$0x6D0];
	v24 =	vmax.f32 v4, $0.0e+00;
	[tilespmem:$0xA30] =	vst v22  }
0x6d: {  	v31 =	vld [tilespmem:$0x6E0];
	v26 =	vmax.f32 v5, $0.0e+00;
	[tilespmem:$0xA40] =	vst v24  }
0x6e: {  	v32 =	vld [tilespmem:$0x6F0];
	v28 =	vmax.f32 v6, $0.0e+00;
	[tilespmem:$0xA50] =	vst v26  }
0x6f: {  	v34 =	vld [tilespmem:$0x700];
	v30 =	vmax.f32 v7, $0.0e+00;
	[tilespmem:$0xA60] =	vst v28  }
0x70: {  	v36 =	vld [tilespmem:$0x710];
	[tilespmem:$0xA70] =	vst v30  }
0x71: {  	v1 =	vld.idx.msk [tilespmem:v19+s2+$0x0], $0xffff  }
0x72: {  	v2 =	vld.idx.msk [tilespmem:v21+s2+$0x0], $0xffff  }
0x73: {  	v3 =	vld.idx.msk [tilespmem:v23+s2+$0x0], $0xffff  }
0x74: {  	v4 =	vld.idx.msk [tilespmem:v25+s2+$0x0], $0xffff  }
0x75: {  	v5 =	vld.idx.msk [tilespmem:v27+s2+$0x0], $0xffff  }
0x76: {  	v6 =	vld.idx.msk [tilespmem:v29+s2+$0x0], $0xffff  }
0x77: {  	v7 =	vld.idx.msk [tilespmem:v31+s2+$0x0], $0xffff;
	v1 =	vmax.f32 v1, $0.0e+00  }
0x78: {  	v0 =	vld.idx.msk [tilespmem:v32+s2+$0x0], $0xffff;
	v33 =	vmax.f32 v2, $0.0e+00;
	[tilespmem:$0xA80] =	vst v1  }
0x79: {  	v38 =	vld [tilespmem:$0x720];
	v35 =	vmax.f32 v3, $0.0e+00;
	[tilespmem:$0xA90] =	vst v33  }
0x7a: {  	v40 =	vld [tilespmem:$0x730];
	v37 =	vmax.f32 v4, $0.0e+00;
	[tilespmem:$0xAA0] =	vst v35  }
0x7b: {  	v42 =	vld [tilespmem:$0x740];
	v39 =	vmax.f32 v5, $0.0e+00;
	[tilespmem:$0xAB0] =	vst v37  }
0x7c: {  	v44 =	vld [tilespmem:$0x750];
	v41 =	vmax.f32 v6, $0.0e+00;
	[tilespmem:$0xAC0] =	vst v39  }
0x7d: {  	v45 =	vld [tilespmem:$0x760];
	v43 =	vmax.f32 v7, $0.0e+00;
	[tilespmem:$0xAD0] =	vst v41  }
0x7e: {  	v46 =	vld [tilespmem:$0x770];
	v0 =	vmax.f32 v0, $0.0e+00;
	[tilespmem:$0xAE0] =	vst v43  }
0x7f: {  	v48 =	vld [tilespmem:$0x780];
	[tilespmem:$0xAF0] =	vst v0  }
0x80: {  	v2 =	vld.idx.msk [tilespmem:v34+s2+$0x0], $0xffff  }
0x81: {  	v3 =	vld.idx.msk [tilespmem:v36+s2+$0x0], $0xffff  }
0x82: {  	v4 =	vld.idx.msk [tilespmem:v38+s2+$0x0], $0xffff  }
0x83: {  	v5 =	vld.idx.msk [tilespmem:v40+s2+$0x0], $0xffff  }
0x84: {  	v6 =	vld.idx.msk [tilespmem:v42+s2+$0x0], $0xffff  }
0x85: {  	v7 =	vld.idx.msk [tilespmem:v44+s2+$0x0], $0xffff  }
0x86: {  	v1 =	vld.idx.msk [tilespmem:v45+s2+$0x0], $0xffff;
	v2 =	vmax.f32 v2, $0.0e+00  }
0x87: {  	v0 =	vld.idx.msk [tilespmem:v46+s2+$0x0], $0xffff;
	v47 =	vmax.f32 v3, $0.0e+00;
	[tilespmem:$0xB00] =	vst v2  }
0x88: {  	v50 =	vld [tilespmem:$0x790];
	v49 =	vmax.f32 v4, $0.0e+00;
	[tilespmem:$0xB10] =	vst v47  }
0x89: {  	v52 =	vld [tilespmem:$0x7A0];
	v51 =	vmax.f32 v5, $0.0e+00;
	[tilespmem:$0xB20] =	vst v49  }
0x8a: {  	v54 =	vld [tilespmem:$0x7B0];
	v53 =	vmax.f32 v6, $0.0e+00;
	[tilespmem:$0xB30] =	vst v51  }
0x8b: {  	v56 =	vld [tilespmem:$0x7C0];
	v55 =	vmax.f32 v7, $0.0e+00;
	[tilespmem:$0xB40] =	vst v53  }
0x8c: {  	v57 =	vld [tilespmem:$0x7D0];
	v1 =	vmax.f32 v1, $0.0e+00;
	[tilespmem:$0xB50] =	vst v55  }
0x8d: {  	v58 =	vld [tilespmem:$0x7E0];
	v0 =	vmax.f32 v0, $0.0e+00;
	[tilespmem:$0xB60] =	vst v1  }
0x8e: {  	v59 =	vld [tilespmem:$0x7F0];
	[tilespmem:$0xB70] =	vst v0  }
0x8f: {  	v3 =	vld.idx.msk [tilespmem:v48+s2+$0x0], $0xffff  }
0x90: {  	v4 =	vld.idx.msk [tilespmem:v50+s2+$0x0], $0xffff  }
0x91: {  	v5 =	vld.idx.msk [tilespmem:v52+s2+$0x0], $0xffff  }
0x92: {  	v6 =	vld.idx.msk [tilespmem:v54+s2+$0x0], $0xffff  }
0x93: {  	v7 =	vld.idx.msk [tilespmem:v56+s2+$0x0], $0xffff  }
0x94: {  	v2 =	vld.idx.msk [tilespmem:v57+s2+$0x0], $0xffff  }
0x95: {  	v1 =	vld.idx.msk [tilespmem:v58+s2+$0x0], $0xffff;
	v3 =	vmax.f32 v3, $0.0e+00  }
0x96: {  	v0 =	vld.idx.msk [tilespmem:v59+s2+$0x0], $0xffff;
	v60 =	vmax.f32 v4, $0.0e+00;
	[tilespmem:$0xB80] =	vst v3  }
0x97: {  	v61 =	vmax.f32 v5, $0.0e+00;
	[tilespmem:$0xB90] =	vst v60  }
0x98: {  	v62 =	vmax.f32 v6, $0.0e+00;
	[tilespmem:$0xBA0] =	vst v61  }
0x99: {  	v63 =	vmax.f32 v7, $0.0e+00;
	[tilespmem:$0xBB0] =	vst v62  }
0x9a: {  	v2 =	vmax.f32 v2, $0.0e+00;
	[tilespmem:$0xBC0] =	vst v63  }
0x9b: {  	v1 =	vmax.f32 v1, $0.0e+00;
	[tilespmem:$0xBD0] =	vst v2  }
0x9c: {  	v0 =	vmax.f32 v0, $0.0e+00;
	[tilespmem:$0xBE0] =	vst v1  }
0x9d: {  	s30 =	simm.s32 $0xA00;
	s31 =	simm.s32 $0x3;
	s3 =	sadd.s32 $0x40, s3;
	[tilespmem:$0xBF0] =	vst v0  }
0x9e: {  	[hbm4b:s3+s2] =	stream.linear.scatter [tilespmem:s30], [sflag:$0x3], $0x200, $0x38;
	[tilespmem:$0xC00] =	vst v63  }
0x9f: {  	_ =	swait.ge [sflag:s31], $0x200  }
0xa0: {  	[sflag:s31] =	ssyncset.done $0x0  }
0xa1: {  	[sflag:s31] =	ssyncadd.s32 $0xFFFFFE00  }
0xa2: {  	_ =	swait.ge [sflag:s31], $0x200  }
0xa3: {  	[sflag:s31] =	ssyncset.done $0x0  }
0xa4: {  	[sflag:s31] =	ssyncadd.s32 $0xFFFFFE00  }
0xa5: {  	_ =	sfence.sel $0x180000  }
0xa6: {  	[bflag:$0x0] =	sbarrier.arrive $0xFFFF  }
0xa7: {  	p0 =	sne.s32 s1, $0x0;
	_ =	strace $0x90000047  }
0xa8: {  	s0 =	sadd.s32 @!p0 $0x100000, s0;
	[bflag:$0x2] =	sbarrier.arrive $0xFFFF  }
0xa9: {  	[sflag:s0] =	ssyncadd.tile.s32 @!p0 $0x1;
	_ =	shalt  }
.Lfunc_end2:
_tile_overlayer_lowered:
.L_overlay_start_2:
0xaa: {  	(tag) =	ssettag $0x2  }
0xab: {  	s0 =	rddreg [dreg:$0x0];
	s2 =	stileid.u32  }
0xac: {  	s1 =	rddreg [dreg:$0x1];
	p0 =	sne.s32 s2, $0x0  }
0xad: {  	s3 =	rddreg [dreg:$0x2];
	[bflag:$0x3] =	sbarrier.arrive $0xFFFF;
	s2 =	simm.s32 @!p0 $0x1C04  }
0xae: {  	[timem:s3], [sflag:s2] =	dma.local @!p0 [hbm:s0], s1  }
0xaf: {  	s0 =	simm.s32 @!p0 $0x4  }
0xb0: {  	_ =	swait.ge @!p0 [sflag:s0], s1  }
0xb1: {  	s1 =	ssub.s32 @!p0 $0x0, s1;
	[sflag:s0] =	ssyncset.done @!p0 $0x0  }
0xb2: {  	[sflag:s0] =	ssyncadd.s32 @!p0 s1  }
0xb3: {  	[bflag:$0x3] =	sbarrier.arrive $0xFFFF  }
0xb4: {  	_ =	shalt  }

</sc_bundles>
